<compile_context>
chip_gen: v7x
topology: tpu7x:2x2x1
jax: 0.10.2.dev20260603
libtpu: 0.0.44.dev20260713+nightly
codegen_flags: <defaults>
</compile_context>

<pallas_src>
import functools

import jax
import jax.numpy as jnp
from jax import lax
from jax.experimental import pallas as pl
from jax.experimental.pallas import tpu as pltpu
from jax.experimental.pallas import tpu_sc as plsc


_L = 16
_NS = 16
_TOK = 128


def _k1_body(sr_ref, tok_ref, ent_ref, pk_ref, wans_ref, bs1_ref, bm1_ref,
             out_ref, kap_ref, wtok_s, wsr_s):
    R = sr_ref.shape[0]
    H = tok_ref.shape[2]
    nq = out_ref.shape[0]
    tdn = (((1,), (1,)), ((), ()))

    @pl.when((pl.program_id(0) == 0) & (pl.program_id(1) == 0))
    def _prep():
        C = wans_ref[H:2 * H, :]
        u0 = jnp.concatenate([pk_ref[2:3, :], pk_ref[5:6, :]], axis=0)
        u1 = lax.dot_general(u0, C, tdn,
                             preferred_element_type=jnp.float32)
        u2 = lax.dot_general(u1, C, tdn,
                             preferred_element_type=jnp.float32)
        u = jnp.concatenate([u0, u1, u2], axis=0)
        wsr_s[0:1, :] = pk_ref[0:1, :]
        wsr_s[1:2, :] = pk_ref[3:4, :]
        wtok_s[0:1, :] = pk_ref[1:2, :]
        wtok_s[1:7, :] = lax.dot_general(u, wans_ref[0:H, :], tdn,
                                         preferred_element_type=jnp.float32)
        kap_ref[0:1, 0:6] = lax.dot_general(pk_ref[6:7, :], u, tdn,
                                            preferred_element_type=jnp.float32)
        kap_ref[0:1, 6:7] = bs1_ref[...]
        kap_ref[0:1, 7:8] = bm1_ref[...]
        kap_ref[0:1, 8:16] = jnp.zeros((1, 8), jnp.float32)

    wsr = wsr_s[...]
    for r in range(R):
        res = lax.dot_general(wsr, sr_ref[r, 0], tdn,
                              preferred_element_type=jnp.float32)
        for q in range(nq):
            out_ref[q, 2 * r:2 * r + 2, :] = res[:, q * _TOK:(q + 1) * _TOK]
    tokres = lax.dot_general(wtok_s[...], tok_ref[0], tdn,
                             preferred_element_type=jnp.float32)
    entres = lax.dot_general(pk_ref[4:5, :], ent_ref[0], tdn,
                             preferred_element_type=jnp.float32)
    for q in range(nq):
        out_ref[q, 8:15, :] = tokres[:, q * _TOK:(q + 1) * _TOK]
        out_ref[q, 15:16, :] = entres[:, q * _TOK:(q + 1) * _TOK]


def _sc_sigmoid(x):
    return 1.0 / (1.0 + jnp.exp(-x))


def _sc_scatter_max(scores_ref, ids, vals):
    def cond(active):
        return jnp.any(active)

    def body(active):
        plsc.store_scatter(scores_ref, [ids], vals, mask=active)
        cur = plsc.load_gather(scores_ref, [ids])
        return active & (cur < vals)

    init = vals > plsc.load_gather(scores_ref, [ids])
    lax.while_loop(cond, body, init)


def _k2_sc_body(chans_hbm, e2t_hbm, kap_hbm, out_hbm,
                chan_v, ids_v, kap_v, consts_v, scores_v, hist_v, parts_v,
                acc_v, sem, shared, *, R, B, S, E):
    cid = lax.axis_index("c")
    sid = lax.axis_index("s")
    blk = cid * _NS + sid
    base = blk * _TOK

    c3 = pltpu.async_copy(kap_hbm, kap_v, sem)
    c1 = pltpu.async_copy(chans_hbm.at[pl.ds(blk * 16 * _TOK, 16 * _TOK)],
                          chan_v, sem)
    c2 = pltpu.async_copy(e2t_hbm.at[cid, pl.ds(sid * _TOK, _TOK)], ids_v, sem)
    c3.wait()

    def splat(k):
        return plsc.load_gather(kap_v, [jnp.full((_L,), k, jnp.int32)])

    acc_s = splat(6)
    acc_m = splat(7)
    for i in range(R):
        consts_v[pl.ds(i * _L, _L)] = acc_s
        consts_v[pl.ds((R + i) * _L, _L)] = acc_m
        if i + 1 < R:
            acc_s = acc_s + splat(2 * i)
            acc_m = acc_m + splat(2 * i + 1)
    c1.wait()
    c2.wait()

    def chan(c, j):
        return chan_v[pl.ds(c * _TOK + _L * j, _L)]

    nv = _TOK // _L
    grp = 8 * (sid % 2)

    for i in range(R):
        def init_body(j, _):
            scores_v[pl.ds(_L * j, _L)] = jnp.full((_L,), -1e30, jnp.float32)
            return 0

        lax.fori_loop(0, nv, init_body, 0, unroll=False)

        def scat_body(j, _, i=i):
            dm = jnp.zeros((_L,), jnp.float32)
            for k in range(i):
                dm = dm + hist_v[pl.ds((i - 1 - k) * _TOK + _L * j, _L)] * chan(10 + 2 * k, j)
            lm = chan(2 * i + 1, j) + chan(15, j) + consts_v[pl.ds((R + i) * _L, _L)] + dm
            _sc_scatter_max(scores_v, ids_v[pl.ds(_L * j, _L)], lm)
            return 0

        lax.fori_loop(0, nv, scat_body, 0, unroll=False)

        poff = (i % 2) * (_NS * E)
        pltpu.sync_copy(scores_v, shared.at[pl.ds(poff + sid * E, E)])
        plsc.subcore_barrier()
        pltpu.sync_copy(shared.at[pl.ds(poff, _NS * E)], parts_v)
        goff = _L * (sid // 2)

        def comb_body(t, acc):
            return jnp.maximum(acc, parts_v[pl.ds(t * E + goff, _L)])

        acc_v[...] = lax.fori_loop(1, _NS, comb_body,
                                   parts_v[pl.ds(goff, _L)], unroll=False)

        def merge_body(j, _, i=i):
            d_s = jnp.zeros((_L,), jnp.float32)
            for k in range(i):
                d_s = d_s + hist_v[pl.ds((i - 1 - k) * _TOK + _L * j, _L)] * chan(9 + 2 * k, j)
            ls = chan(2 * i, j) + chan(8, j) + consts_v[pl.ds(i * _L, _L)] + d_s
            pred = plsc.load_gather(
                acc_v, [jnp.full((_L,), grp + j, jnp.int32)])
            hist_v[pl.ds(i * _TOK + _L * j, _L)] = _sc_sigmoid(jnp.maximum(ls, pred))
            return 0

        lax.fori_loop(0, nv, merge_body, 0, unroll=False)

    outcps = [pltpu.async_copy(hist_v.at[pl.ds(i * _TOK, _TOK)],
                               out_hbm.at[i, cid, pl.ds(sid * _TOK, _TOK)], sem)
              for i in range(R)]
    for cp in outcps:
        cp.wait()


def _k3_body(merged_ref, gold_ref, mask_ref, loss_ref):
    Rn = merged_ref.shape[0]
    bce_sum = jnp.float32(0.0)
    for i in range(Rn):
        p = jnp.clip(merged_ref[i], 1e-7, 1.0 - 1e-7)
        gold = gold_ref[i]
        bce_sum += -jnp.mean(gold * jnp.log(p) +
                             (1.0 - gold) * jnp.log1p(-p))
    loss_ref[...] = jnp.reshape(bce_sum * jnp.sum(mask_ref[...]), (1, 1))


def kernel(role_labels, summar_role_embedding, token_embedding,
           entities_embedding, token_mask, entity_mask, entity_spans,
           char2token, entity2token, W_single, b_single, W_multi, b_multi,
           W_answer, b_answer):
    R, B, S = role_labels.shape
    H = token_embedding.shape[-1]
    E = entity_spans.shape[1]

    TS = 512
    nq = TS // _TOK
    nblk = (B * S) // _TOK
    grid = (B, S // TS)
    packed = jnp.concatenate(
        [W_single[:, 0], W_multi[:, 0], b_answer]).reshape(7, H)
    chans, kap = pl.pallas_call(
        _k1_body,
        grid=grid,
        in_specs=[
            pl.BlockSpec((R, 1, TS, H), lambda b, s: (0, b, s, 0)),
            pl.BlockSpec((1, TS, H), lambda b, s: (b, s, 0)),
            pl.BlockSpec((1, TS, H), lambda b, s: (b, s, 0)),
            pl.BlockSpec((7, H), lambda b, s: (0, 0)),
            pl.BlockSpec((2 * H, H), lambda b, s: (0, 0)),
            pl.BlockSpec((1, 1), lambda b, s: (0, 0)),
            pl.BlockSpec((1, 1), lambda b, s: (0, 0)),
        ],
        out_specs=(
            pl.BlockSpec((nq, 16, _TOK), lambda b, s, _S=S // TS: (b * _S + s, 0, 0)),
            pl.BlockSpec((1, 16), lambda b, s: (0, 0)),
        ),
        out_shape=(
            jax.ShapeDtypeStruct((nblk, 16, _TOK), jnp.float32),
            jax.ShapeDtypeStruct((1, 16), jnp.float32),
        ),
        scratch_shapes=[pltpu.VMEM((7, H), jnp.float32),
                        pltpu.VMEM((2, H), jnp.float32)],
    )(summar_role_embedding, token_embedding, entities_embedding,
      packed, W_answer, b_single[None, :], b_multi[None, :])

    e2t = entity2token.astype(jnp.int32)

    merged = pl.kernel(
        functools.partial(_k2_sc_body, R=R, B=B, S=S, E=E),
        out_type=jax.ShapeDtypeStruct((R, B, S), jnp.float32),
        mesh=plsc.VectorSubcoreMesh(core_axis_name="c", subcore_axis_name="s"),
        compiler_params=pltpu.CompilerParams(needs_layout_passes=False),
        scratch_types=[
            pltpu.VMEM((16 * _TOK,), jnp.float32),
            pltpu.VMEM((_TOK,), jnp.int32),
            pltpu.VMEM((_L,), jnp.float32),
            pltpu.VMEM((2 * R * _L,), jnp.float32),
            pltpu.VMEM((E,), jnp.float32),
            pltpu.VMEM((R * _TOK,), jnp.float32),
            pltpu.VMEM((_NS * E,), jnp.float32),
            pltpu.VMEM((_L,), jnp.float32),
            pltpu.SemaphoreType.DMA,
            pltpu.VMEM_SHARED((2 * _NS * E,), jnp.float32),
        ],
    )(chans.reshape(nblk * 16 * _TOK), e2t, kap.reshape(16))

    loss = pl.pallas_call(
        _k3_body,
        out_shape=jax.ShapeDtypeStruct((1, 1), jnp.float32),
    )(merged, role_labels, token_mask)

    return loss[0, 0], merged

# --- scband reference (transcript-rebuilt; emitter-appended) ---
"""Pipeline reference for scband-role-decoder-5025111736730 (READ-ONLY COPY).

The authoritative reference and input builder live on the scoring server;
editing this copy changes nothing except your own understanding.
"""

import jax
import jax.numpy as jnp
import numpy as np

R, B, S, H, E = 4, 2, 2048, 768, 128

def setup_inputs(seed: int = 0):
    key = jax.random.key(seed)
    ks = jax.random.split(key, 10)
    role_labels = jax.random.uniform(ks[0], (R, B, S), dtype=jnp.float32)
    summar_role_embedding = jax.random.normal(ks[1], (R, B, S, H), dtype=jnp.float32)
    token_embedding = jax.random.normal(ks[2], (B, S, H), dtype=jnp.float32)
    entities_embedding = jax.random.normal(ks[3], (B, S, H), dtype=jnp.float32)
    token_mask = jnp.ones((B, S), dtype=jnp.float32)
    entity_mask = jnp.ones((B, E), dtype=jnp.float32)
    span_len = S // E
    starts = jnp.arange(E, dtype=jnp.int32) * span_len
    ends = starts + span_len
    entity_spans = jnp.broadcast_to(jnp.stack([starts, ends], axis=-1)[None, :, None, :], (B, E, 1, 2))
    char2token = jnp.zeros((B, S), dtype=jnp.int32)
    entity2token = jax.random.randint(ks[4], (B, S), 0, E)
    W_single = jax.random.normal(ks[5], (3 * H, 1), dtype=jnp.float32) * 0.02
    b_single = jnp.zeros((1,), dtype=jnp.float32)
    W_multi = jax.random.normal(ks[6], (3 * H, 1), dtype=jnp.float32) * 0.02
    b_multi = jnp.zeros((1,), dtype=jnp.float32)
    W_answer = jax.random.normal(ks[7], (2 * H, H), dtype=jnp.float32) * 0.02
    b_answer = jnp.zeros((H,), dtype=jnp.float32)
    return {"role_labels": role_labels, "summar_role_embedding": summar_role_embedding, "token_embedding": token_embedding, "entities_embedding": entities_embedding, "token_mask": token_mask, "entity_mask": entity_mask, "entity_spans": entity_spans, "char2token": char2token, "entity2token": entity2token, "W_single": W_single, "b_single": b_single, "W_multi": W_multi, "b_multi": b_multi, "W_answer": W_answer, "b_answer": b_answer}

def reference(role_labels, summar_role_embedding, token_embedding, entities_embedding, token_mask, entity_mask, entity_spans, char2token, entity2token, W_single, b_single, W_multi, b_multi, W_answer, b_answer):
    Rn, Bn, Sn = role_labels.shape
    En = entity_spans.shape[1]
    starts = entity_spans[:, :, 0, 0]
    ends = entity_spans[:, :, 0, 1]
    pos = jnp.arange(Sn)
    cover = (pos[None, None, :] >= starts[:, :, None]) & (pos[None, None, :] < ends[:, :, None])
    seg_ids = (entity2token + jnp.arange(Bn)[:, None] * En).reshape(-1)
    pre_answer = jnp.zeros_like(token_embedding)
    total_loss = jnp.asarray(0.0, dtype=jnp.float32)
    batch_arg_logits = []
    for i in range(Rn):
        sr = summar_role_embedding[i]
        single = jax.nn.sigmoid(jnp.concatenate([sr, token_embedding, pre_answer], axis=-1) @ W_single + b_single)[..., 0]
        multi = jax.nn.sigmoid(jnp.concatenate([sr, entities_embedding, pre_answer], axis=-1) @ W_multi + b_multi)[..., 0]
        ent_scores = jax.ops.segment_max(multi.reshape(-1), seg_ids, num_segments=Bn * En).reshape(Bn, En)
        ent_scores = jnp.maximum(ent_scores, 0.0)
        pred_entity = jnp.max(jnp.where(cover, ent_scores[:, :, None], 0.0), axis=1)
        merged = jnp.maximum(single, pred_entity)
        batch_arg_logits.append(merged)
        curr_answer = token_embedding * merged[..., None]
        pre_answer = jnp.concatenate([curr_answer, pre_answer], axis=-1) @ W_answer + b_answer
        gold = role_labels[i]
        p = jnp.clip(merged, 1e-7, 1.0 - 1e-7)
        bce = -jnp.mean(gold * jnp.log(p) + (1.0 - gold) * jnp.log1p(-p))
        total_loss = total_loss + bce * jnp.sum(token_mask)
    return total_loss, jnp.stack(batch_arg_logits)

if __name__ == "__main__":
    import jax
    _d = setup_inputs()
    print(jax.jit(kernel)(*tuple(_d.values())))

</pallas_src>

<mosaic_0001>
#map = affine_map<(d0, d1) -> (0)>
#map1 = affine_map<(d0, d1) -> (0, 0)>
#map2 = affine_map<(d0, d1) -> (0, 0, 0)>
module attributes {stable_mosaic.version = 14 : i64} {
  func.func @_k2_sc_body(%arg0: i32, %arg1: i32, %arg2: memref<65536xf32, #tpu.memory_space<hbm>>, %arg3: memref<2x2048xi32, #tpu.memory_space<hbm>>, %arg4: memref<16xf32, #tpu.memory_space<hbm>>, %arg5: memref<4x2x2048xf32, #tpu.memory_space<hbm>>, %arg6: memref<2048xf32, #tpu.memory_space<vmem>>, %arg7: memref<128xi32, #tpu.memory_space<vmem>>, %arg8: memref<16xf32, #tpu.memory_space<vmem>>, %arg9: memref<128xf32, #tpu.memory_space<vmem>>, %arg10: memref<128xf32, #tpu.memory_space<vmem>>, %arg11: memref<512xf32, #tpu.memory_space<vmem>>, %arg12: memref<2048xf32, #tpu.memory_space<vmem>>, %arg13: memref<16xf32, #tpu.memory_space<vmem>>, %arg14: memref<!tpu.dma_semaphore, #tpu.memory_space<semaphore_mem>>, %arg15: memref<4096xf32, #tpu.memory_space<vmem_shared>>) attributes {dimension_semantics = [#tpu.dimension_semantics<core_parallel>, #tpu.dimension_semantics<subcore_parallel>], iteration_bounds = array<i64: 2, 16>, scalar_prefetch = 0 : i64, scratch_operands = 10 : i64, tpu.core_type = #tpu.core_type<sc_vector_subcore>, window_params = [{transform_indices = #map}, {transform_indices = #map1}, {transform_indices = #map}, {transform_indices = #map2}]} {
    %mul3A = arith.constant 16 : i32
    %mul3A_0 = arith.muli %arg0, %mul3A : i32
    %add3A = arith.addi %mul3A_0, %arg1 : i32
    %mul3A_1 = arith.constant 128 : i32
    %mul3A_2 = arith.muli %add3A, %mul3A_1 : i32
    tpu.enqueue_dma source(%arg4 : memref<16xf32, #tpu.memory_space<hbm>>) target(%arg8 : memref<16xf32, #tpu.memory_space<vmem>>) target_semaphore(%arg14 : memref<!tpu.dma_semaphore, #tpu.memory_space<semaphore_mem>>)
    %mul3A_3 = arith.constant 16 : i32
    %mul3A_4 = arith.muli %add3A, %mul3A_3 : i32
    %mul3A_5 = arith.constant 128 : i32
    %mul3A_6 = arith.muli %mul3A_4, %mul3A_5 : i32
    %dma_start3A = tpu.memref_slice %arg2[%mul3A_6] : memref<65536xf32, #tpu.memory_space<hbm>> -> memref<2048xf32, #tpu.memory_space<hbm>>
    %dma_start3A_7 = tpu.memref_slice %arg2[%mul3A_6] : memref<65536xf32, #tpu.memory_space<hbm>> -> memref<2048xf32, #tpu.memory_space<hbm>>
    tpu.enqueue_dma source(%dma_start3A_7 : memref<2048xf32, #tpu.memory_space<hbm>>) target(%arg6 : memref<2048xf32, #tpu.memory_space<vmem>>) target_semaphore(%arg14 : memref<!tpu.dma_semaphore, #tpu.memory_space<semaphore_mem>>)
    %mul3A_8 = arith.constant 128 : i32
    %mul3A_9 = arith.muli %arg1, %mul3A_8 : i32
    %dma_start3A_10 = tpu.memref_slice %arg3[%arg0, %mul3A_9] : memref<2x2048xi32, #tpu.memory_space<hbm>> -> memref<1x128xi32, #tpu.memory_space<hbm>>
    %dma_start3A_11 = tpu.memref_squeeze %dma_start3A_10 : memref<1x128xi32, #tpu.memory_space<hbm>> -> memref<128xi32, #tpu.memory_space<hbm>>
    %dma_start3A_12 = tpu.memref_slice %arg3[%arg0, %mul3A_9] : memref<2x2048xi32, #tpu.memory_space<hbm>> -> memref<1x128xi32, #tpu.memory_space<hbm>>
    %dma_start3A_13 = tpu.memref_squeeze %dma_start3A_12 : memref<1x128xi32, #tpu.memory_space<hbm>> -> memref<128xi32, #tpu.memory_space<hbm>>
    tpu.enqueue_dma source(%dma_start3A_13 : memref<128xi32, #tpu.memory_space<hbm>>) target(%arg7 : memref<128xi32, #tpu.memory_space<vmem>>) target_semaphore(%arg14 : memref<!tpu.dma_semaphore, #tpu.memory_space<semaphore_mem>>)
    tpu.wait_dma2 semaphore(%arg14 : memref<!tpu.dma_semaphore, #tpu.memory_space<semaphore_mem>>) src(%arg4 : memref<16xf32, #tpu.memory_space<hbm>>) dst(%arg8 : memref<16xf32, #tpu.memory_space<vmem>>)
    %broadcast_in_dim3A = arith.constant 6 : i32
    %broadcast_in_dim3A_14 = vector.broadcast %broadcast_in_dim3A : i32 to vector<16xi32>
    %gather3A = tpu.vector_load_idx %arg8[%broadcast_in_dim3A_14] : memref<16xf32, #tpu.memory_space<vmem>>[vector<16xi32>], vector<16xf32>,
    %broadcast_in_dim3A_15 = arith.constant 7 : i32
    %broadcast_in_dim3A_16 = vector.broadcast %broadcast_in_dim3A_15 : i32 to vector<16xi32>
    %gather3A_17 = tpu.vector_load_idx %arg8[%broadcast_in_dim3A_16] : memref<16xf32, #tpu.memory_space<vmem>>[vector<16xi32>], vector<16xf32>,
    %swap3A = arith.constant 0 : index
    %swap3A_18 = tpu.vector_load %arg9[%swap3A] {strides = array<i32>} : memref<128xf32, #tpu.memory_space<vmem>>, vector<16xf32>,
    tpu.vector_store %arg9[%swap3A], %gather3A {strides = array<i32>} : memref<128xf32, #tpu.memory_space<vmem>>, vector<16xf32>,
    %swap3A_19 = arith.constant 64 : index
    %swap3A_20 = tpu.vector_load %arg9[%swap3A_19] {strides = array<i32>} : memref<128xf32, #tpu.memory_space<vmem>>, vector<16xf32>,
    tpu.vector_store %arg9[%swap3A_19], %gather3A_17 {strides = array<i32>} : memref<128xf32, #tpu.memory_space<vmem>>, vector<16xf32>,
    %broadcast_in_dim3A_21 = arith.constant 0 : i32
    %broadcast_in_dim3A_22 = vector.broadcast %broadcast_in_dim3A_21 : i32 to vector<16xi32>
    %gather3A_23 = tpu.vector_load_idx %arg8[%broadcast_in_dim3A_22] : memref<16xf32, #tpu.memory_space<vmem>>[vector<16xi32>], vector<16xf32>,
    %add3A_24 = arith.addf %gather3A, %gather3A_23 : vector<16xf32>
    %broadcast_in_dim3A_25 = arith.constant 1 : i32
    %broadcast_in_dim3A_26 = vector.broadcast %broadcast_in_dim3A_25 : i32 to vector<16xi32>
    %gather3A_27 = tpu.vector_load_idx %arg8[%broadcast_in_dim3A_26] : memref<16xf32, #tpu.memory_space<vmem>>[vector<16xi32>], vector<16xf32>,
    %add3A_28 = arith.addf %gather3A_17, %gather3A_27 : vector<16xf32>
    %swap3A_29 = arith.constant 16 : index
    %swap3A_30 = tpu.vector_load %arg9[%swap3A_29] {strides = array<i32>} : memref<128xf32, #tpu.memory_space<vmem>>, vector<16xf32>,
    tpu.vector_store %arg9[%swap3A_29], %add3A_24 {strides = array<i32>} : memref<128xf32, #tpu.memory_space<vmem>>, vector<16xf32>,
    %swap3A_31 = arith.constant 80 : index
    %swap3A_32 = tpu.vector_load %arg9[%swap3A_31] {strides = array<i32>} : memref<128xf32, #tpu.memory_space<vmem>>, vector<16xf32>,
    tpu.vector_store %arg9[%swap3A_31], %add3A_28 {strides = array<i32>} : memref<128xf32, #tpu.memory_space<vmem>>, vector<16xf32>,
    %broadcast_in_dim3A_33 = arith.constant 2 : i32
    %broadcast_in_dim3A_34 = vector.broadcast %broadcast_in_dim3A_33 : i32 to vector<16xi32>
    %gather3A_35 = tpu.vector_load_idx %arg8[%broadcast_in_dim3A_34] : memref<16xf32, #tpu.memory_space<vmem>>[vector<16xi32>], vector<16xf32>,
    %add3A_36 = arith.addf %add3A_24, %gather3A_35 : vector<16xf32>
    %broadcast_in_dim3A_37 = arith.constant 3 : i32
    %broadcast_in_dim3A_38 = vector.broadcast %broadcast_in_dim3A_37 : i32 to vector<16xi32>
    %gather3A_39 = tpu.vector_load_idx %arg8[%broadcast_in_dim3A_38] : memref<16xf32, #tpu.memory_space<vmem>>[vector<16xi32>], vector<16xf32>,
    %add3A_40 = arith.addf %add3A_28, %gather3A_39 : vector<16xf32>
    %swap3A_41 = arith.constant 32 : index
    %swap3A_42 = tpu.vector_load %arg9[%swap3A_41] {strides = array<i32>} : memref<128xf32, #tpu.memory_space<vmem>>, vector<16xf32>,
    tpu.vector_store %arg9[%swap3A_41], %add3A_36 {strides = array<i32>} : memref<128xf32, #tpu.memory_space<vmem>>, vector<16xf32>,
    %swap3A_43 = arith.constant 96 : index
    %swap3A_44 = tpu.vector_load %arg9[%swap3A_43] {strides = array<i32>} : memref<128xf32, #tpu.memory_space<vmem>>, vector<16xf32>,
    tpu.vector_store %arg9[%swap3A_43], %add3A_40 {strides = array<i32>} : memref<128xf32, #tpu.memory_space<vmem>>, vector<16xf32>,
    %broadcast_in_dim3A_45 = arith.constant 4 : i32
    %broadcast_in_dim3A_46 = vector.broadcast %broadcast_in_dim3A_45 : i32 to vector<16xi32>
    %gather3A_47 = tpu.vector_load_idx %arg8[%broadcast_in_dim3A_46] : memref<16xf32, #tpu.memory_space<vmem>>[vector<16xi32>], vector<16xf32>,
    %add3A_48 = arith.addf %add3A_36, %gather3A_47 : vector<16xf32>
    %broadcast_in_dim3A_49 = arith.constant 5 : i32
    %broadcast_in_dim3A_50 = vector.broadcast %broadcast_in_dim3A_49 : i32 to vector<16xi32>
    %gather3A_51 = tpu.vector_load_idx %arg8[%broadcast_in_dim3A_50] : memref<16xf32, #tpu.memory_space<vmem>>[vector<16xi32>], vector<16xf32>,
    %add3A_52 = arith.addf %add3A_40, %gather3A_51 : vector<16xf32>
    %swap3A_53 = arith.constant 48 : index
    %swap3A_54 = tpu.vector_load %arg9[%swap3A_53] {strides = array<i32>} : memref<128xf32, #tpu.memory_space<vmem>>, vector<16xf32>,
    tpu.vector_store %arg9[%swap3A_53], %add3A_48 {strides = array<i32>} : memref<128xf32, #tpu.memory_space<vmem>>, vector<16xf32>,
    %swap3A_55 = arith.constant 112 : index
    %swap3A_56 = tpu.vector_load %arg9[%swap3A_55] {strides = array<i32>} : memref<128xf32, #tpu.memory_space<vmem>>, vector<16xf32>,
    tpu.vector_store %arg9[%swap3A_55], %add3A_52 {strides = array<i32>} : memref<128xf32, #tpu.memory_space<vmem>>, vector<16xf32>,
    %dma_wait3A = tpu.memref_slice %arg2[%mul3A_6] : memref<65536xf32, #tpu.memory_space<hbm>> -> memref<2048xf32, #tpu.memory_space<hbm>>
    %dma_wait3A_57 = tpu.memref_slice %arg2[%mul3A_6] : memref<65536xf32, #tpu.memory_space<hbm>> -> memref<2048xf32, #tpu.memory_space<hbm>>
    tpu.wait_dma2 semaphore(%arg14 : memref<!tpu.dma_semaphore, #tpu.memory_space<semaphore_mem>>) src(%dma_wait3A_57 : memref<2048xf32, #tpu.memory_space<hbm>>) dst(%arg6 : memref<2048xf32, #tpu.memory_space<vmem>>)
    %dma_wait3A_58 = tpu.memref_slice %arg3[%arg0, %mul3A_9] : memref<2x2048xi32, #tpu.memory_space<hbm>> -> memref<1x128xi32, #tpu.memory_space<hbm>>
    %dma_wait3A_59 = tpu.memref_squeeze %dma_wait3A_58 : memref<1x128xi32, #tpu.memory_space<hbm>> -> memref<128xi32, #tpu.memory_space<hbm>>
    %dma_wait3A_60 = tpu.memref_slice %arg3[%arg0, %mul3A_9] : memref<2x2048xi32, #tpu.memory_space<hbm>> -> memref<1x128xi32, #tpu.memory_space<hbm>>
    %dma_wait3A_61 = tpu.memref_squeeze %dma_wait3A_60 : memref<1x128xi32, #tpu.memory_space<hbm>> -> memref<128xi32, #tpu.memory_space<hbm>>
    tpu.wait_dma2 semaphore(%arg14 : memref<!tpu.dma_semaphore, #tpu.memory_space<semaphore_mem>>) src(%dma_wait3A_61 : memref<128xi32, #tpu.memory_space<hbm>>) dst(%arg7 : memref<128xi32, #tpu.memory_space<vmem>>)
    %jit3A = arith.constant 2 : i32
    %eq3A = arith.constant 0 : i32
    %eq3A_62 = arith.cmpi eq, %jit3A, %eq3A : i32
    %jit3A_63 = arith.constant 1 : i32
    %select_n3A = arith.select %eq3A_62, %jit3A_63, %jit3A : i32
    %rem3A = arith.remsi %arg1, %select_n3A : i32
    %ne3A = arith.constant 0 : i32
    %ne3A_64 = arith.cmpi ne, %rem3A, %ne3A : i32
    %lt3A = arith.constant 0 : i32
    %lt3A_65 = arith.cmpi slt, %rem3A, %lt3A : i32
    %lt3A_66 = arith.constant 0 : i32
    %lt3A_67 = arith.cmpi slt, %select_n3A, %lt3A_66 : i32
    %ne3A_68 = arith.xori %lt3A_65, %lt3A_67 : i1
    %and3A = arith.andi %ne3A_68, %ne3A_64 : i1
    %add3A_69 = arith.addi %rem3A, %select_n3A : i32
    %select_n3A_70 = arith.select %and3A, %add3A_69, %rem3A : i32
    %mul3A_71 = arith.constant 8 : i32
    %mul3A_72 = arith.muli %mul3A_71, %select_n3A_70 : i32
    %scan3A = arith.constant 0 : i32
    %scan3A_73 = arith.constant 0 : i32
    %scan3A_74 = arith.constant 8 : i32
    %scan3A_75 = arith.addi %scan3A_73, %scan3A_74 : i32
    %scan3A_76 = arith.constant 1 : i32
    %scan3A_77 = scf.for %scan3A_395 = %scan3A_73 to %scan3A_75 step %scan3A_76 iter_args(%scan3A_396 = %scan3A) -> (i32)  : i32 {
      %broadcast_in_dim3A_397 = arith.constant -1.000000e+30 : f32
      %broadcast_in_dim3A_398 = vector.broadcast %broadcast_in_dim3A_397 : f32 to vector<16xf32>
      %mul3A_399 = arith.constant 16 : i32
      %mul3A_400 = arith.muli %mul3A_399, %scan3A_395 : i32
      %swap3A_401 = arith.index_cast %mul3A_400 : i32 to index
      %swap3A_402 = tpu.vector_load %arg10[%swap3A_401] {strides = array<i32>} : memref<128xf32, #tpu.memory_space<vmem>>, vector<16xf32>,
      tpu.vector_store %arg10[%swap3A_401], %broadcast_in_dim3A_398 {strides = array<i32>} : memref<128xf32, #tpu.memory_space<vmem>>, vector<16xf32>,
      %scan3A_403 = arith.constant 0 : i32
      scf.yield %scan3A_403 : i32
    }
    %scan3A_78 = arith.constant 8 : i32
    %scan3A_79 = arith.constant 0 : i32
    %scan3A_80 = arith.constant 0 : i32
    %scan3A_81 = arith.constant 8 : i32
    %scan3A_82 = arith.addi %scan3A_80, %scan3A_81 : i32
    %scan3A_83 = arith.constant 1 : i32
    %scan3A_84 = scf.for %scan3A_395 = %scan3A_80 to %scan3A_82 step %scan3A_83 iter_args(%scan3A_396 = %scan3A_79) -> (i32)  : i32 {
      %broadcast_in_dim3A_397 = arith.constant 0.000000e+00 : f32
      %broadcast_in_dim3A_398 = vector.broadcast %broadcast_in_dim3A_397 : f32 to vector<16xf32>
      %mul3A_399 = arith.constant 16 : i32
      %mul3A_400 = arith.muli %mul3A_399, %scan3A_395 : i32
      %add3A_401 = arith.constant 128 : i32
      %add3A_402 = arith.addi %add3A_401, %mul3A_400 : i32
      %get3A_403 = arith.index_cast %add3A_402 : i32 to index
      %get3A_404 = tpu.vector_load %arg6[%get3A_403] {strides = array<i32>} : memref<2048xf32, #tpu.memory_space<vmem>>, vector<16xf32>,
      %mul3A_405 = arith.constant 16 : i32
      %mul3A_406 = arith.muli %mul3A_405, %scan3A_395 : i32
      %add3A_407 = arith.constant 1920 : i32
      %add3A_408 = arith.addi %add3A_407, %mul3A_406 : i32
      %get3A_409 = arith.index_cast %add3A_408 : i32 to index
      %get3A_410 = tpu.vector_load %arg6[%get3A_409] {strides = array<i32>} : memref<2048xf32, #tpu.memory_space<vmem>>, vector<16xf32>,
      %add3A_411 = arith.addf %get3A_404, %get3A_410 : vector<16xf32>
      %get3A_412 = arith.constant 64 : index
      %get3A_413 = tpu.vector_load %arg9[%get3A_412] {strides = array<i32>} : memref<128xf32, #tpu.memory_space<vmem>>, vector<16xf32>,
      %add3A_414 = arith.addf %add3A_411, %get3A_413 : vector<16xf32>
      %add3A_415 = arith.addf %add3A_414, %broadcast_in_dim3A_398 : vector<16xf32>
      %mul3A_416 = arith.constant 16 : i32
      %mul3A_417 = arith.muli %mul3A_416, %scan3A_395 : i32
      %get3A_418 = arith.index_cast %mul3A_417 : i32 to index
      %get3A_419 = tpu.vector_load %arg7[%get3A_418] {strides = array<i32>} : memref<128xi32, #tpu.memory_space<vmem>>, vector<16xi32>,
      %gather3A_420 = tpu.vector_load_idx %arg10[%get3A_419] : memref<128xf32, #tpu.memory_space<vmem>>[vector<16xi32>], vector<16xf32>,
      %gt3A = arith.cmpf ogt, %add3A_415, %gather3A_420 : vector<16xf32>
      %while3A = scf.while (%while3A_422 = %gt3A) : (vector<16xi1>) -> vector<16xi1> {
        %reduce_or3A = arith.constant 1.000000e+00 : f32
        %reduce_or3A_423 = arith.constant 0.000000e+00 : f32
        %reduce_or3A_424 = vector.broadcast %reduce_or3A : f32 to vector<16xf32>
        %reduce_or3A_425 = vector.broadcast %reduce_or3A_423 : f32 to vector<16xf32>
        %reduce_or3A_426 = arith.select %while3A_422, %reduce_or3A_424, %reduce_or3A_425 : vector<16xi1>, vector<16xf32>
        %reduce_or3A_427 = arith.constant true
        %reduce_or3A_428 = vector.broadcast %reduce_or3A_427 : i1 to vector<16xi1>
        %reduce_or3A_429 = tpu.scan <max>, %reduce_or3A_426 masked %reduce_or3A_428 : vector<16xf32>, vector<16xi1> -> vector<16xf32>
        %reduce_or3A_430 = vector.extract %reduce_or3A_429[15] : f32 from vector<16xf32>
        %reduce_or3A_431 = arith.constant 0.000000e+00 : f32
        %reduce_or3A_432 = arith.cmpf ogt, %reduce_or3A_430, %reduce_or3A_431 : f32
        scf.condition(%reduce_or3A_432) %while3A_422 : vector<16xi1>
      } do {
      ^bb0(%while3A_422: vector<16xi1>):
        tpu.vector_store_idx %arg10[%get3A_419], %add3A_415 masked %while3A_422 : memref<128xf32, #tpu.memory_space<vmem>>[vector<16xi32>], vector<16xf32>, vector<16xi1>
        %gather3A_423 = tpu.vector_load_idx %arg10[%get3A_419] : memref<128xf32, #tpu.memory_space<vmem>>[vector<16xi32>], vector<16xf32>,
        %lt3A_424 = arith.cmpf olt, %gather3A_423, %add3A_415 : vector<16xf32>
        %and3A_425 = arith.andi %while3A_422, %lt3A_424 : vector<16xi1>
        scf.yield %and3A_425 : vector<16xi1>
      }
      %scan3A_421 = arith.constant 0 : i32
      scf.yield %scan3A_421 : i32
    }
    %scan3A_85 = arith.constant 8 : i32
    %mul3A_86 = arith.constant 128 : i32
    %mul3A_87 = arith.muli %arg1, %mul3A_86 : i32
    %add3A_88 = arith.constant 0 : i32
    %add3A_89 = arith.addi %add3A_88, %mul3A_87 : i32
    "tpu.region"() ({
      %run_scoped3A = tpu.sem_alloc : memref<!tpu.dma_semaphore, #tpu.memory_space<semaphore_mem>>
      %dma_start3A_395 = tpu.memref_slice %arg15[%add3A_89] : memref<4096xf32, #tpu.memory_space<vmem_shared>> -> memref<128xf32, #tpu.memory_space<vmem_shared>>
      %dma_start3A_396 = tpu.memref_slice %arg15[%add3A_89] : memref<4096xf32, #tpu.memory_space<vmem_shared>> -> memref<128xf32, #tpu.memory_space<vmem_shared>>
      tpu.enqueue_dma source(%arg10 : memref<128xf32, #tpu.memory_space<vmem>>) target(%dma_start3A_396 : memref<128xf32, #tpu.memory_space<vmem_shared>>) target_semaphore(%run_scoped3A : memref<!tpu.dma_semaphore, #tpu.memory_space<semaphore_mem>>)
      %dma_wait3A_397 = tpu.memref_slice %arg15[%add3A_89] : memref<4096xf32, #tpu.memory_space<vmem_shared>> -> memref<128xf32, #tpu.memory_space<vmem_shared>>
      %dma_wait3A_398 = tpu.memref_slice %arg15[%add3A_89] : memref<4096xf32, #tpu.memory_space<vmem_shared>> -> memref<128xf32, #tpu.memory_space<vmem_shared>>
      tpu.wait_dma2 semaphore(%run_scoped3A : memref<!tpu.dma_semaphore, #tpu.memory_space<semaphore_mem>>) src(%arg10 : memref<128xf32, #tpu.memory_space<vmem>>) dst(%dma_wait3A_398 : memref<128xf32, #tpu.memory_space<vmem_shared>>)
      tpu.yield
    }) : () -> ()
    %barrier3A = arith.constant 0 : index
    tpu.barrier barrier_id(%barrier3A)
    "tpu.region"() ({
      %run_scoped3A = tpu.sem_alloc : memref<!tpu.dma_semaphore, #tpu.memory_space<semaphore_mem>>
      %dma_start3A_395 = arith.constant 0 : i32
      %dma_start3A_396 = tpu.memref_slice %arg15[%dma_start3A_395] : memref<4096xf32, #tpu.memory_space<vmem_shared>> -> memref<2048xf32, #tpu.memory_space<vmem_shared>>
      %dma_start3A_397 = arith.constant 0 : i32
      %dma_start3A_398 = tpu.memref_slice %arg15[%dma_start3A_397] : memref<4096xf32, #tpu.memory_space<vmem_shared>> -> memref<2048xf32, #tpu.memory_space<vmem_shared>>
      tpu.enqueue_dma source(%dma_start3A_398 : memref<2048xf32, #tpu.memory_space<vmem_shared>>) target(%arg12 : memref<2048xf32, #tpu.memory_space<vmem>>) target_semaphore(%run_scoped3A : memref<!tpu.dma_semaphore, #tpu.memory_space<semaphore_mem>>)
      %dma_wait3A_399 = arith.constant 0 : i32
      %dma_wait3A_400 = tpu.memref_slice %arg15[%dma_wait3A_399] : memref<4096xf32, #tpu.memory_space<vmem_shared>> -> memref<2048xf32, #tpu.memory_space<vmem_shared>>
      %dma_wait3A_401 = arith.constant 0 : i32
      %dma_wait3A_402 = tpu.memref_slice %arg15[%dma_wait3A_401] : memref<4096xf32, #tpu.memory_space<vmem_shared>> -> memref<2048xf32, #tpu.memory_space<vmem_shared>>
      tpu.wait_dma2 semaphore(%run_scoped3A : memref<!tpu.dma_semaphore, #tpu.memory_space<semaphore_mem>>) src(%dma_wait3A_402 : memref<2048xf32, #tpu.memory_space<vmem_shared>>) dst(%arg12 : memref<2048xf32, #tpu.memory_space<vmem>>)
      tpu.yield
    }) : () -> ()
    %jit3A_90 = arith.constant 2 : i32
    %div3A = arith.divsi %arg1, %jit3A_90 : i32
    %sign3A = arith.constant 0 : i32
    %sign3A_91 = arith.cmpi sgt, %arg1, %sign3A : i32
    %sign3A_92 = arith.extui %sign3A_91 : i1 to i32
    %sign3A_93 = arith.constant 0 : i32
    %sign3A_94 = arith.cmpi slt, %arg1, %sign3A_93 : i32
    %sign3A_95 = arith.extui %sign3A_94 : i1 to i32
    %sign3A_96 = arith.subi %sign3A_92, %sign3A_95 : i32
    %sign3A_97 = arith.constant 0 : i32
    %sign3A_98 = arith.cmpi sgt, %jit3A_90, %sign3A_97 : i32
    %sign3A_99 = arith.extui %sign3A_98 : i1 to i32
    %sign3A_100 = arith.constant 0 : i32
    %sign3A_101 = arith.cmpi slt, %jit3A_90, %sign3A_100 : i32
    %sign3A_102 = arith.extui %sign3A_101 : i1 to i32
    %sign3A_103 = arith.subi %sign3A_99, %sign3A_102 : i32
    %ne3A_104 = arith.cmpi ne, %sign3A_96, %sign3A_103 : i32
    %rem3A_105 = arith.remsi %arg1, %jit3A_90 : i32
    %ne3A_106 = arith.constant 0 : i32
    %ne3A_107 = arith.cmpi ne, %rem3A_105, %ne3A_106 : i32
    %and3A_108 = arith.andi %ne3A_104, %ne3A_107 : i1
    %sub3A = arith.constant 1 : i32
    %sub3A_109 = arith.subi %div3A, %sub3A : i32
    %select_n3A_110 = arith.select %and3A_108, %sub3A_109, %div3A : i32
    %mul3A_111 = arith.constant 16 : i32
    %mul3A_112 = arith.muli %mul3A_111, %select_n3A_110 : i32
    %get3A = arith.index_cast %mul3A_112 : i32 to index
    %get3A_113 = tpu.vector_load %arg12[%get3A] {strides = array<i32>} : memref<2048xf32, #tpu.memory_space<vmem>>, vector<16xf32>,
    %scan3A_114 = arith.constant 1 : i32
    %scan3A_115 = arith.constant 15 : i32
    %scan3A_116 = arith.addi %scan3A_114, %scan3A_115 : i32
    %scan3A_117 = arith.constant 1 : i32
    %scan3A_118 = scf.for %scan3A_395 = %scan3A_114 to %scan3A_116 step %scan3A_117 iter_args(%scan3A_396 = %get3A_113) -> (vector<16xf32>)  : i32 {
      %mul3A_397 = arith.constant 128 : i32
      %mul3A_398 = arith.muli %scan3A_395, %mul3A_397 : i32
      %add3A_399 = arith.addi %mul3A_398, %mul3A_112 : i32
      %get3A_400 = arith.index_cast %add3A_399 : i32 to index
      %get3A_401 = tpu.vector_load %arg12[%get3A_400] {strides = array<i32>} : memref<2048xf32, #tpu.memory_space<vmem>>, vector<16xf32>,
      %max3A = arith.maximumf %scan3A_396, %get3A_401 : vector<16xf32>
      scf.yield %max3A : vector<16xf32>
    }
    %scan3A_119 = arith.constant 15 : i32
    %swap3A_120 = arith.constant 0 : index
    %swap3A_121 = tpu.vector_load %arg13[%swap3A_120] {strides = array<i32>} : memref<16xf32, #tpu.memory_space<vmem>>, vector<16xf32>,
    tpu.vector_store %arg13[%swap3A_120], %scan3A_118 {strides = array<i32>} : memref<16xf32, #tpu.memory_space<vmem>>, vector<16xf32>,
    %scan3A_122 = arith.constant 0 : i32
    %scan3A_123 = arith.constant 0 : i32
    %scan3A_124 = arith.constant 8 : i32
    %scan3A_125 = arith.addi %scan3A_123, %scan3A_124 : i32
    %scan3A_126 = arith.constant 1 : i32
    %scan3A_127 = scf.for %scan3A_395 = %scan3A_123 to %scan3A_125 step %scan3A_126 iter_args(%scan3A_396 = %scan3A_122) -> (i32)  : i32 {
      %broadcast_in_dim3A_397 = arith.constant 0.000000e+00 : f32
      %broadcast_in_dim3A_398 = vector.broadcast %broadcast_in_dim3A_397 : f32 to vector<16xf32>
      %mul3A_399 = arith.constant 16 : i32
      %mul3A_400 = arith.muli %mul3A_399, %scan3A_395 : i32
      %add3A_401 = arith.constant 0 : i32
      %add3A_402 = arith.addi %add3A_401, %mul3A_400 : i32
      %get3A_403 = arith.index_cast %add3A_402 : i32 to index
      %get3A_404 = tpu.vector_load %arg6[%get3A_403] {strides = array<i32>} : memref<2048xf32, #tpu.memory_space<vmem>>, vector<16xf32>,
      %mul3A_405 = arith.constant 16 : i32
      %mul3A_406 = arith.muli %mul3A_405, %scan3A_395 : i32
      %add3A_407 = arith.constant 1024 : i32
      %add3A_408 = arith.addi %add3A_407, %mul3A_406 : i32
      %get3A_409 = arith.index_cast %add3A_408 : i32 to index
      %get3A_410 = tpu.vector_load %arg6[%get3A_409] {strides = array<i32>} : memref<2048xf32, #tpu.memory_space<vmem>>, vector<16xf32>,
      %add3A_411 = arith.addf %get3A_404, %get3A_410 : vector<16xf32>
      %get3A_412 = arith.constant 0 : index
      %get3A_413 = tpu.vector_load %arg9[%get3A_412] {strides = array<i32>} : memref<128xf32, #tpu.memory_space<vmem>>, vector<16xf32>,
      %add3A_414 = arith.addf %add3A_411, %get3A_413 : vector<16xf32>
      %add3A_415 = arith.addf %add3A_414, %broadcast_in_dim3A_398 : vector<16xf32>
      %add3A_416 = arith.addi %mul3A_72, %scan3A_395 : i32
      %broadcast_in_dim3A_417 = vector.broadcast %add3A_416 : i32 to vector<16xi32>
      %gather3A_418 = tpu.vector_load_idx %arg13[%broadcast_in_dim3A_417] : memref<16xf32, #tpu.memory_space<vmem>>[vector<16xi32>], vector<16xf32>,
      %max3A = arith.maximumf %add3A_415, %gather3A_418 : vector<16xf32>
      %neg3A = arith.constant 0.000000e+00 : f32
      %neg3A_419 = vector.broadcast %neg3A : f32 to vector<16xf32>
      %neg3A_420 = arith.subf %neg3A_419, %max3A : vector<16xf32>
      %exp3A = math.exp %neg3A_420 : vector<16xf32>
      %add3A_421 = arith.constant 1.000000e+00 : f32
      %add3A_422 = vector.broadcast %add3A_421 : f32 to vector<16xf32>
      %add3A_423 = arith.addf %add3A_422, %exp3A : vector<16xf32>
      %div3A_424 = arith.constant 1.000000e+00 : f32
      %div3A_425 = vector.broadcast %div3A_424 : f32 to vector<16xf32>
      %div3A_426 = arith.divf %div3A_425, %add3A_423 : vector<16xf32>
      %mul3A_427 = arith.constant 16 : i32
      %mul3A_428 = arith.muli %mul3A_427, %scan3A_395 : i32
      %add3A_429 = arith.constant 0 : i32
      %add3A_430 = arith.addi %add3A_429, %mul3A_428 : i32
      %swap3A_431 = arith.index_cast %add3A_430 : i32 to index
      %swap3A_432 = tpu.vector_load %arg11[%swap3A_431] {strides = array<i32>} : memref<512xf32, #tpu.memory_space<vmem>>, vector<16xf32>,
      tpu.vector_store %arg11[%swap3A_431], %div3A_426 {strides = array<i32>} : memref<512xf32, #tpu.memory_space<vmem>>, vector<16xf32>,
      %scan3A_433 = arith.constant 0 : i32
      scf.yield %scan3A_433 : i32
    }
    %scan3A_128 = arith.constant 8 : i32
    %scan3A_129 = arith.constant 0 : i32
    %scan3A_130 = arith.constant 0 : i32
    %scan3A_131 = arith.constant 8 : i32
    %scan3A_132 = arith.addi %scan3A_130, %scan3A_131 : i32
    %scan3A_133 = arith.constant 1 : i32
    %scan3A_134 = scf.for %scan3A_395 = %scan3A_130 to %scan3A_132 step %scan3A_133 iter_args(%scan3A_396 = %scan3A_129) -> (i32)  : i32 {
      %broadcast_in_dim3A_397 = arith.constant -1.000000e+30 : f32
      %broadcast_in_dim3A_398 = vector.broadcast %broadcast_in_dim3A_397 : f32 to vector<16xf32>
      %mul3A_399 = arith.constant 16 : i32
      %mul3A_400 = arith.muli %mul3A_399, %scan3A_395 : i32
      %swap3A_401 = arith.index_cast %mul3A_400 : i32 to index
      %swap3A_402 = tpu.vector_load %arg10[%swap3A_401] {strides = array<i32>} : memref<128xf32, #tpu.memory_space<vmem>>, vector<16xf32>,
      tpu.vector_store %arg10[%swap3A_401], %broadcast_in_dim3A_398 {strides = array<i32>} : memref<128xf32, #tpu.memory_space<vmem>>, vector<16xf32>,
      %scan3A_403 = arith.constant 0 : i32
      scf.yield %scan3A_403 : i32
    }
    %scan3A_135 = arith.constant 8 : i32
    %scan3A_136 = arith.constant 0 : i32
    %scan3A_137 = arith.constant 0 : i32
    %scan3A_138 = arith.constant 8 : i32
    %scan3A_139 = arith.addi %scan3A_137, %scan3A_138 : i32
    %scan3A_140 = arith.constant 1 : i32
    %scan3A_141 = scf.for %scan3A_395 = %scan3A_137 to %scan3A_139 step %scan3A_140 iter_args(%scan3A_396 = %scan3A_136) -> (i32)  : i32 {
      %broadcast_in_dim3A_397 = arith.constant 0.000000e+00 : f32
      %broadcast_in_dim3A_398 = vector.broadcast %broadcast_in_dim3A_397 : f32 to vector<16xf32>
      %mul3A_399 = arith.constant 16 : i32
      %mul3A_400 = arith.muli %mul3A_399, %scan3A_395 : i32
      %add3A_401 = arith.constant 0 : i32
      %add3A_402 = arith.addi %add3A_401, %mul3A_400 : i32
      %get3A_403 = arith.index_cast %add3A_402 : i32 to index
      %get3A_404 = tpu.vector_load %arg11[%get3A_403] {strides = array<i32>} : memref<512xf32, #tpu.memory_space<vmem>>, vector<16xf32>,
      %mul3A_405 = arith.constant 16 : i32
      %mul3A_406 = arith.muli %mul3A_405, %scan3A_395 : i32
      %add3A_407 = arith.constant 1280 : i32
      %add3A_408 = arith.addi %add3A_407, %mul3A_406 : i32
      %get3A_409 = arith.index_cast %add3A_408 : i32 to index
      %get3A_410 = tpu.vector_load %arg6[%get3A_409] {strides = array<i32>} : memref<2048xf32, #tpu.memory_space<vmem>>, vector<16xf32>,
      %mul3A_411 = arith.mulf %get3A_404, %get3A_410 : vector<16xf32>
      %add3A_412 = arith.addf %broadcast_in_dim3A_398, %mul3A_411 : vector<16xf32>
      %mul3A_413 = arith.constant 16 : i32
      %mul3A_414 = arith.muli %mul3A_413, %scan3A_395 : i32
      %add3A_415 = arith.constant 384 : i32
      %add3A_416 = arith.addi %add3A_415, %mul3A_414 : i32
      %get3A_417 = arith.index_cast %add3A_416 : i32 to index
      %get3A_418 = tpu.vector_load %arg6[%get3A_417] {strides = array<i32>} : memref<2048xf32, #tpu.memory_space<vmem>>, vector<16xf32>,
      %mul3A_419 = arith.constant 16 : i32
      %mul3A_420 = arith.muli %mul3A_419, %scan3A_395 : i32
      %add3A_421 = arith.constant 1920 : i32
      %add3A_422 = arith.addi %add3A_421, %mul3A_420 : i32
      %get3A_423 = arith.index_cast %add3A_422 : i32 to index
      %get3A_424 = tpu.vector_load %arg6[%get3A_423] {strides = array<i32>} : memref<2048xf32, #tpu.memory_space<vmem>>, vector<16xf32>,
      %add3A_425 = arith.addf %get3A_418, %get3A_424 : vector<16xf32>
      %get3A_426 = arith.constant 80 : index
      %get3A_427 = tpu.vector_load %arg9[%get3A_426] {strides = array<i32>} : memref<128xf32, #tpu.memory_space<vmem>>, vector<16xf32>,
      %add3A_428 = arith.addf %add3A_425, %get3A_427 : vector<16xf32>
      %add3A_429 = arith.addf %add3A_428, %add3A_412 : vector<16xf32>
      %mul3A_430 = arith.constant 16 : i32
      %mul3A_431 = arith.muli %mul3A_430, %scan3A_395 : i32
      %get3A_432 = arith.index_cast %mul3A_431 : i32 to index
      %get3A_433 = tpu.vector_load %arg7[%get3A_432] {strides = array<i32>} : memref<128xi32, #tpu.memory_space<vmem>>, vector<16xi32>,
      %gather3A_434 = tpu.vector_load_idx %arg10[%get3A_433] : memref<128xf32, #tpu.memory_space<vmem>>[vector<16xi32>], vector<16xf32>,
      %gt3A = arith.cmpf ogt, %add3A_429, %gather3A_434 : vector<16xf32>
      %while3A = scf.while (%while3A_436 = %gt3A) : (vector<16xi1>) -> vector<16xi1> {
        %reduce_or3A = arith.constant 1.000000e+00 : f32
        %reduce_or3A_437 = arith.constant 0.000000e+00 : f32
        %reduce_or3A_438 = vector.broadcast %reduce_or3A : f32 to vector<16xf32>
        %reduce_or3A_439 = vector.broadcast %reduce_or3A_437 : f32 to vector<16xf32>
        %reduce_or3A_440 = arith.select %while3A_436, %reduce_or3A_438, %reduce_or3A_439 : vector<16xi1>, vector<16xf32>
        %reduce_or3A_441 = arith.constant true
        %reduce_or3A_442 = vector.broadcast %reduce_or3A_441 : i1 to vector<16xi1>
        %reduce_or3A_443 = tpu.scan <max>, %reduce_or3A_440 masked %reduce_or3A_442 : vector<16xf32>, vector<16xi1> -> vector<16xf32>
        %reduce_or3A_444 = vector.extract %reduce_or3A_443[15] : f32 from vector<16xf32>
        %reduce_or3A_445 = arith.constant 0.000000e+00 : f32
        %reduce_or3A_446 = arith.cmpf ogt, %reduce_or3A_444, %reduce_or3A_445 : f32
        scf.condition(%reduce_or3A_446) %while3A_436 : vector<16xi1>
      } do {
      ^bb0(%while3A_436: vector<16xi1>):
        tpu.vector_store_idx %arg10[%get3A_433], %add3A_429 masked %while3A_436 : memref<128xf32, #tpu.memory_space<vmem>>[vector<16xi32>], vector<16xf32>, vector<16xi1>
        %gather3A_437 = tpu.vector_load_idx %arg10[%get3A_433] : memref<128xf32, #tpu.memory_space<vmem>>[vector<16xi32>], vector<16xf32>,
        %lt3A_438 = arith.cmpf olt, %gather3A_437, %add3A_429 : vector<16xf32>
        %and3A_439 = arith.andi %while3A_436, %lt3A_438 : vector<16xi1>
        scf.yield %and3A_439 : vector<16xi1>
      }
      %scan3A_435 = arith.constant 0 : i32
      scf.yield %scan3A_435 : i32
    }
    %scan3A_142 = arith.constant 8 : i32
    %mul3A_143 = arith.constant 128 : i32
    %mul3A_144 = arith.muli %arg1, %mul3A_143 : i32
    %add3A_145 = arith.constant 2048 : i32
    %add3A_146 = arith.addi %add3A_145, %mul3A_144 : i32
    "tpu.region"() ({
      %run_scoped3A = tpu.sem_alloc : memref<!tpu.dma_semaphore, #tpu.memory_space<semaphore_mem>>
      %dma_start3A_395 = tpu.memref_slice %arg15[%add3A_146] : memref<4096xf32, #tpu.memory_space<vmem_shared>> -> memref<128xf32, #tpu.memory_space<vmem_shared>>
      %dma_start3A_396 = tpu.memref_slice %arg15[%add3A_146] : memref<4096xf32, #tpu.memory_space<vmem_shared>> -> memref<128xf32, #tpu.memory_space<vmem_shared>>
      tpu.enqueue_dma source(%arg10 : memref<128xf32, #tpu.memory_space<vmem>>) target(%dma_start3A_396 : memref<128xf32, #tpu.memory_space<vmem_shared>>) target_semaphore(%run_scoped3A : memref<!tpu.dma_semaphore, #tpu.memory_space<semaphore_mem>>)
      %dma_wait3A_397 = tpu.memref_slice %arg15[%add3A_146] : memref<4096xf32, #tpu.memory_space<vmem_shared>> -> memref<128xf32, #tpu.memory_space<vmem_shared>>
      %dma_wait3A_398 = tpu.memref_slice %arg15[%add3A_146] : memref<4096xf32, #tpu.memory_space<vmem_shared>> -> memref<128xf32, #tpu.memory_space<vmem_shared>>
      tpu.wait_dma2 semaphore(%run_scoped3A : memref<!tpu.dma_semaphore, #tpu.memory_space<semaphore_mem>>) src(%arg10 : memref<128xf32, #tpu.memory_space<vmem>>) dst(%dma_wait3A_398 : memref<128xf32, #tpu.memory_space<vmem_shared>>)
      tpu.yield
    }) : () -> ()
    %barrier3A_147 = arith.constant 0 : index
    tpu.barrier barrier_id(%barrier3A_147)
    "tpu.region"() ({
      %run_scoped3A = tpu.sem_alloc : memref<!tpu.dma_semaphore, #tpu.memory_space<semaphore_mem>>
      %dma_start3A_395 = arith.constant 2048 : i32
      %dma_start3A_396 = tpu.memref_slice %arg15[%dma_start3A_395] : memref<4096xf32, #tpu.memory_space<vmem_shared>> -> memref<2048xf32, #tpu.memory_space<vmem_shared>>
      %dma_start3A_397 = arith.constant 2048 : i32
      %dma_start3A_398 = tpu.memref_slice %arg15[%dma_start3A_397] : memref<4096xf32, #tpu.memory_space<vmem_shared>> -> memref<2048xf32, #tpu.memory_space<vmem_shared>>
      tpu.enqueue_dma source(%dma_start3A_398 : memref<2048xf32, #tpu.memory_space<vmem_shared>>) target(%arg12 : memref<2048xf32, #tpu.memory_space<vmem>>) target_semaphore(%run_scoped3A : memref<!tpu.dma_semaphore, #tpu.memory_space<semaphore_mem>>)
      %dma_wait3A_399 = arith.constant 2048 : i32
      %dma_wait3A_400 = tpu.memref_slice %arg15[%dma_wait3A_399] : memref<4096xf32, #tpu.memory_space<vmem_shared>> -> memref<2048xf32, #tpu.memory_space<vmem_shared>>
      %dma_wait3A_401 = arith.constant 2048 : i32
      %dma_wait3A_402 = tpu.memref_slice %arg15[%dma_wait3A_401] : memref<4096xf32, #tpu.memory_space<vmem_shared>> -> memref<2048xf32, #tpu.memory_space<vmem_shared>>
      tpu.wait_dma2 semaphore(%run_scoped3A : memref<!tpu.dma_semaphore, #tpu.memory_space<semaphore_mem>>) src(%dma_wait3A_402 : memref<2048xf32, #tpu.memory_space<vmem_shared>>) dst(%arg12 : memref<2048xf32, #tpu.memory_space<vmem>>)
      tpu.yield
    }) : () -> ()
    %jit3A_148 = arith.constant 2 : i32
    %div3A_149 = arith.divsi %arg1, %jit3A_148 : i32
    %sign3A_150 = arith.constant 0 : i32
    %sign3A_151 = arith.cmpi sgt, %arg1, %sign3A_150 : i32
    %sign3A_152 = arith.extui %sign3A_151 : i1 to i32
    %sign3A_153 = arith.constant 0 : i32
    %sign3A_154 = arith.cmpi slt, %arg1, %sign3A_153 : i32
    %sign3A_155 = arith.extui %sign3A_154 : i1 to i32
    %sign3A_156 = arith.subi %sign3A_152, %sign3A_155 : i32
    %sign3A_157 = arith.constant 0 : i32
    %sign3A_158 = arith.cmpi sgt, %jit3A_148, %sign3A_157 : i32
    %sign3A_159 = arith.extui %sign3A_158 : i1 to i32
    %sign3A_160 = arith.constant 0 : i32
    %sign3A_161 = arith.cmpi slt, %jit3A_148, %sign3A_160 : i32
    %sign3A_162 = arith.extui %sign3A_161 : i1 to i32
    %sign3A_163 = arith.subi %sign3A_159, %sign3A_162 : i32
    %ne3A_164 = arith.cmpi ne, %sign3A_156, %sign3A_163 : i32
    %rem3A_165 = arith.remsi %arg1, %jit3A_148 : i32
    %ne3A_166 = arith.constant 0 : i32
    %ne3A_167 = arith.cmpi ne, %rem3A_165, %ne3A_166 : i32
    %and3A_168 = arith.andi %ne3A_164, %ne3A_167 : i1
    %sub3A_169 = arith.constant 1 : i32
    %sub3A_170 = arith.subi %div3A_149, %sub3A_169 : i32
    %select_n3A_171 = arith.select %and3A_168, %sub3A_170, %div3A_149 : i32
    %mul3A_172 = arith.constant 16 : i32
    %mul3A_173 = arith.muli %mul3A_172, %select_n3A_171 : i32
    %get3A_174 = arith.index_cast %mul3A_173 : i32 to index
    %get3A_175 = tpu.vector_load %arg12[%get3A_174] {strides = array<i32>} : memref<2048xf32, #tpu.memory_space<vmem>>, vector<16xf32>,
    %scan3A_176 = arith.constant 1 : i32
    %scan3A_177 = arith.constant 15 : i32
    %scan3A_178 = arith.addi %scan3A_176, %scan3A_177 : i32
    %scan3A_179 = arith.constant 1 : i32
    %scan3A_180 = scf.for %scan3A_395 = %scan3A_176 to %scan3A_178 step %scan3A_179 iter_args(%scan3A_396 = %get3A_175) -> (vector<16xf32>)  : i32 {
      %mul3A_397 = arith.constant 128 : i32
      %mul3A_398 = arith.muli %scan3A_395, %mul3A_397 : i32
      %add3A_399 = arith.addi %mul3A_398, %mul3A_173 : i32
      %get3A_400 = arith.index_cast %add3A_399 : i32 to index
      %get3A_401 = tpu.vector_load %arg12[%get3A_400] {strides = array<i32>} : memref<2048xf32, #tpu.memory_space<vmem>>, vector<16xf32>,
      %max3A = arith.maximumf %scan3A_396, %get3A_401 : vector<16xf32>
      scf.yield %max3A : vector<16xf32>
    }
    %scan3A_181 = arith.constant 15 : i32
    %swap3A_182 = arith.constant 0 : index
    %swap3A_183 = tpu.vector_load %arg13[%swap3A_182] {strides = array<i32>} : memref<16xf32, #tpu.memory_space<vmem>>, vector<16xf32>,
    tpu.vector_store %arg13[%swap3A_182], %scan3A_180 {strides = array<i32>} : memref<16xf32, #tpu.memory_space<vmem>>, vector<16xf32>,
    %scan3A_184 = arith.constant 0 : i32
    %scan3A_185 = arith.constant 0 : i32
    %scan3A_186 = arith.constant 8 : i32
    %scan3A_187 = arith.addi %scan3A_185, %scan3A_186 : i32
    %scan3A_188 = arith.constant 1 : i32
    %scan3A_189 = scf.for %scan3A_395 = %scan3A_185 to %scan3A_187 step %scan3A_188 iter_args(%scan3A_396 = %scan3A_184) -> (i32)  : i32 {
      %broadcast_in_dim3A_397 = arith.constant 0.000000e+00 : f32
      %broadcast_in_dim3A_398 = vector.broadcast %broadcast_in_dim3A_397 : f32 to vector<16xf32>
      %mul3A_399 = arith.constant 16 : i32
      %mul3A_400 = arith.muli %mul3A_399, %scan3A_395 : i32
      %add3A_401 = arith.constant 0 : i32
      %add3A_402 = arith.addi %add3A_401, %mul3A_400 : i32
      %get3A_403 = arith.index_cast %add3A_402 : i32 to index
      %get3A_404 = tpu.vector_load %arg11[%get3A_403] {strides = array<i32>} : memref<512xf32, #tpu.memory_space<vmem>>, vector<16xf32>,
      %mul3A_405 = arith.constant 16 : i32
      %mul3A_406 = arith.muli %mul3A_405, %scan3A_395 : i32
      %add3A_407 = arith.constant 1152 : i32
      %add3A_408 = arith.addi %add3A_407, %mul3A_406 : i32
      %get3A_409 = arith.index_cast %add3A_408 : i32 to index
      %get3A_410 = tpu.vector_load %arg6[%get3A_409] {strides = array<i32>} : memref<2048xf32, #tpu.memory_space<vmem>>, vector<16xf32>,
      %mul3A_411 = arith.mulf %get3A_404, %get3A_410 : vector<16xf32>
      %add3A_412 = arith.addf %broadcast_in_dim3A_398, %mul3A_411 : vector<16xf32>
      %mul3A_413 = arith.constant 16 : i32
      %mul3A_414 = arith.muli %mul3A_413, %scan3A_395 : i32
      %add3A_415 = arith.constant 256 : i32
      %add3A_416 = arith.addi %add3A_415, %mul3A_414 : i32
      %get3A_417 = arith.index_cast %add3A_416 : i32 to index
      %get3A_418 = tpu.vector_load %arg6[%get3A_417] {strides = array<i32>} : memref<2048xf32, #tpu.memory_space<vmem>>, vector<16xf32>,
      %mul3A_419 = arith.constant 16 : i32
      %mul3A_420 = arith.muli %mul3A_419, %scan3A_395 : i32
      %add3A_421 = arith.constant 1024 : i32
      %add3A_422 = arith.addi %add3A_421, %mul3A_420 : i32
      %get3A_423 = arith.index_cast %add3A_422 : i32 to index
      %get3A_424 = tpu.vector_load %arg6[%get3A_423] {strides = array<i32>} : memref<2048xf32, #tpu.memory_space<vmem>>, vector<16xf32>,
      %add3A_425 = arith.addf %get3A_418, %get3A_424 : vector<16xf32>
      %get3A_426 = arith.constant 16 : index
      %get3A_427 = tpu.vector_load %arg9[%get3A_426] {strides = array<i32>} : memref<128xf32, #tpu.memory_space<vmem>>, vector<16xf32>,
      %add3A_428 = arith.addf %add3A_425, %get3A_427 : vector<16xf32>
      %add3A_429 = arith.addf %add3A_428, %add3A_412 : vector<16xf32>
      %add3A_430 = arith.addi %mul3A_72, %scan3A_395 : i32
      %broadcast_in_dim3A_431 = vector.broadcast %add3A_430 : i32 to vector<16xi32>
      %gather3A_432 = tpu.vector_load_idx %arg13[%broadcast_in_dim3A_431] : memref<16xf32, #tpu.memory_space<vmem>>[vector<16xi32>], vector<16xf32>,
      %max3A = arith.maximumf %add3A_429, %gather3A_432 : vector<16xf32>
      %neg3A = arith.constant 0.000000e+00 : f32
      %neg3A_433 = vector.broadcast %neg3A : f32 to vector<16xf32>
      %neg3A_434 = arith.subf %neg3A_433, %max3A : vector<16xf32>
      %exp3A = math.exp %neg3A_434 : vector<16xf32>
      %add3A_435 = arith.constant 1.000000e+00 : f32
      %add3A_436 = vector.broadcast %add3A_435 : f32 to vector<16xf32>
      %add3A_437 = arith.addf %add3A_436, %exp3A : vector<16xf32>
      %div3A_438 = arith.constant 1.000000e+00 : f32
      %div3A_439 = vector.broadcast %div3A_438 : f32 to vector<16xf32>
      %div3A_440 = arith.divf %div3A_439, %add3A_437 : vector<16xf32>
      %mul3A_441 = arith.constant 16 : i32
      %mul3A_442 = arith.muli %mul3A_441, %scan3A_395 : i32
      %add3A_443 = arith.constant 128 : i32
      %add3A_444 = arith.addi %add3A_443, %mul3A_442 : i32
      %swap3A_445 = arith.index_cast %add3A_444 : i32 to index
      %swap3A_446 = tpu.vector_load %arg11[%swap3A_445] {strides = array<i32>} : memref<512xf32, #tpu.memory_space<vmem>>, vector<16xf32>,
      tpu.vector_store %arg11[%swap3A_445], %div3A_440 {strides = array<i32>} : memref<512xf32, #tpu.memory_space<vmem>>, vector<16xf32>,
      %scan3A_447 = arith.constant 0 : i32
      scf.yield %scan3A_447 : i32
    }
    %scan3A_190 = arith.constant 8 : i32
    %scan3A_191 = arith.constant 0 : i32
    %scan3A_192 = arith.constant 0 : i32
    %scan3A_193 = arith.constant 8 : i32
    %scan3A_194 = arith.addi %scan3A_192, %scan3A_193 : i32
    %scan3A_195 = arith.constant 1 : i32
    %scan3A_196 = scf.for %scan3A_395 = %scan3A_192 to %scan3A_194 step %scan3A_195 iter_args(%scan3A_396 = %scan3A_191) -> (i32)  : i32 {
      %broadcast_in_dim3A_397 = arith.constant -1.000000e+30 : f32
      %broadcast_in_dim3A_398 = vector.broadcast %broadcast_in_dim3A_397 : f32 to vector<16xf32>
      %mul3A_399 = arith.constant 16 : i32
      %mul3A_400 = arith.muli %mul3A_399, %scan3A_395 : i32
      %swap3A_401 = arith.index_cast %mul3A_400 : i32 to index
      %swap3A_402 = tpu.vector_load %arg10[%swap3A_401] {strides = array<i32>} : memref<128xf32, #tpu.memory_space<vmem>>, vector<16xf32>,
      tpu.vector_store %arg10[%swap3A_401], %broadcast_in_dim3A_398 {strides = array<i32>} : memref<128xf32, #tpu.memory_space<vmem>>, vector<16xf32>,
      %scan3A_403 = arith.constant 0 : i32
      scf.yield %scan3A_403 : i32
    }
    %scan3A_197 = arith.constant 8 : i32
    %scan3A_198 = arith.constant 0 : i32
    %scan3A_199 = arith.constant 0 : i32
    %scan3A_200 = arith.constant 8 : i32
    %scan3A_201 = arith.addi %scan3A_199, %scan3A_200 : i32
    %scan3A_202 = arith.constant 1 : i32
    %scan3A_203 = scf.for %scan3A_395 = %scan3A_199 to %scan3A_201 step %scan3A_202 iter_args(%scan3A_396 = %scan3A_198) -> (i32)  : i32 {
      %broadcast_in_dim3A_397 = arith.constant 0.000000e+00 : f32
      %broadcast_in_dim3A_398 = vector.broadcast %broadcast_in_dim3A_397 : f32 to vector<16xf32>
      %mul3A_399 = arith.constant 16 : i32
      %mul3A_400 = arith.muli %mul3A_399, %scan3A_395 : i32
      %add3A_401 = arith.constant 128 : i32
      %add3A_402 = arith.addi %add3A_401, %mul3A_400 : i32
      %get3A_403 = arith.index_cast %add3A_402 : i32 to index
      %get3A_404 = tpu.vector_load %arg11[%get3A_403] {strides = array<i32>} : memref<512xf32, #tpu.memory_space<vmem>>, vector<16xf32>,
      %mul3A_405 = arith.constant 16 : i32
      %mul3A_406 = arith.muli %mul3A_405, %scan3A_395 : i32
      %add3A_407 = arith.constant 1280 : i32
      %add3A_408 = arith.addi %add3A_407, %mul3A_406 : i32
      %get3A_409 = arith.index_cast %add3A_408 : i32 to index
      %get3A_410 = tpu.vector_load %arg6[%get3A_409] {strides = array<i32>} : memref<2048xf32, #tpu.memory_space<vmem>>, vector<16xf32>,
      %mul3A_411 = arith.mulf %get3A_404, %get3A_410 : vector<16xf32>
      %add3A_412 = arith.addf %broadcast_in_dim3A_398, %mul3A_411 : vector<16xf32>
      %mul3A_413 = arith.constant 16 : i32
      %mul3A_414 = arith.muli %mul3A_413, %scan3A_395 : i32
      %add3A_415 = arith.constant 0 : i32
      %add3A_416 = arith.addi %add3A_415, %mul3A_414 : i32
      %get3A_417 = arith.index_cast %add3A_416 : i32 to index
      %get3A_418 = tpu.vector_load %arg11[%get3A_417] {strides = array<i32>} : memref<512xf32, #tpu.memory_space<vmem>>, vector<16xf32>,
      %mul3A_419 = arith.constant 16 : i32
      %mul3A_420 = arith.muli %mul3A_419, %scan3A_395 : i32
      %add3A_421 = arith.constant 1536 : i32
      %add3A_422 = arith.addi %add3A_421, %mul3A_420 : i32
      %get3A_423 = arith.index_cast %add3A_422 : i32 to index
      %get3A_424 = tpu.vector_load %arg6[%get3A_423] {strides = array<i32>} : memref<2048xf32, #tpu.memory_space<vmem>>, vector<16xf32>,
      %mul3A_425 = arith.mulf %get3A_418, %get3A_424 : vector<16xf32>
      %add3A_426 = arith.addf %add3A_412, %mul3A_425 : vector<16xf32>
      %mul3A_427 = arith.constant 16 : i32
      %mul3A_428 = arith.muli %mul3A_427, %scan3A_395 : i32
      %add3A_429 = arith.constant 640 : i32
      %add3A_430 = arith.addi %add3A_429, %mul3A_428 : i32
      %get3A_431 = arith.index_cast %add3A_430 : i32 to index
      %get3A_432 = tpu.vector_load %arg6[%get3A_431] {strides = array<i32>} : memref<2048xf32, #tpu.memory_space<vmem>>, vector<16xf32>,
      %mul3A_433 = arith.constant 16 : i32
      %mul3A_434 = arith.muli %mul3A_433, %scan3A_395 : i32
      %add3A_435 = arith.constant 1920 : i32
      %add3A_436 = arith.addi %add3A_435, %mul3A_434 : i32
      %get3A_437 = arith.index_cast %add3A_436 : i32 to index
      %get3A_438 = tpu.vector_load %arg6[%get3A_437] {strides = array<i32>} : memref<2048xf32, #tpu.memory_space<vmem>>, vector<16xf32>,
      %add3A_439 = arith.addf %get3A_432, %get3A_438 : vector<16xf32>
      %get3A_440 = arith.constant 96 : index
      %get3A_441 = tpu.vector_load %arg9[%get3A_440] {strides = array<i32>} : memref<128xf32, #tpu.memory_space<vmem>>, vector<16xf32>,
      %add3A_442 = arith.addf %add3A_439, %get3A_441 : vector<16xf32>
      %add3A_443 = arith.addf %add3A_442, %add3A_426 : vector<16xf32>
      %mul3A_444 = arith.constant 16 : i32
      %mul3A_445 = arith.muli %mul3A_444, %scan3A_395 : i32
      %get3A_446 = arith.index_cast %mul3A_445 : i32 to index
      %get3A_447 = tpu.vector_load %arg7[%get3A_446] {strides = array<i32>} : memref<128xi32, #tpu.memory_space<vmem>>, vector<16xi32>,
      %gather3A_448 = tpu.vector_load_idx %arg10[%get3A_447] : memref<128xf32, #tpu.memory_space<vmem>>[vector<16xi32>], vector<16xf32>,
      %gt3A = arith.cmpf ogt, %add3A_443, %gather3A_448 : vector<16xf32>
      %while3A = scf.while (%while3A_450 = %gt3A) : (vector<16xi1>) -> vector<16xi1> {
        %reduce_or3A = arith.constant 1.000000e+00 : f32
        %reduce_or3A_451 = arith.constant 0.000000e+00 : f32
        %reduce_or3A_452 = vector.broadcast %reduce_or3A : f32 to vector<16xf32>
        %reduce_or3A_453 = vector.broadcast %reduce_or3A_451 : f32 to vector<16xf32>
        %reduce_or3A_454 = arith.select %while3A_450, %reduce_or3A_452, %reduce_or3A_453 : vector<16xi1>, vector<16xf32>
        %reduce_or3A_455 = arith.constant true
        %reduce_or3A_456 = vector.broadcast %reduce_or3A_455 : i1 to vector<16xi1>
        %reduce_or3A_457 = tpu.scan <max>, %reduce_or3A_454 masked %reduce_or3A_456 : vector<16xf32>, vector<16xi1> -> vector<16xf32>
        %reduce_or3A_458 = vector.extract %reduce_or3A_457[15] : f32 from vector<16xf32>
        %reduce_or3A_459 = arith.constant 0.000000e+00 : f32
        %reduce_or3A_460 = arith.cmpf ogt, %reduce_or3A_458, %reduce_or3A_459 : f32
        scf.condition(%reduce_or3A_460) %while3A_450 : vector<16xi1>
      } do {
      ^bb0(%while3A_450: vector<16xi1>):
        tpu.vector_store_idx %arg10[%get3A_447], %add3A_443 masked %while3A_450 : memref<128xf32, #tpu.memory_space<vmem>>[vector<16xi32>], vector<16xf32>, vector<16xi1>
        %gather3A_451 = tpu.vector_load_idx %arg10[%get3A_447] : memref<128xf32, #tpu.memory_space<vmem>>[vector<16xi32>], vector<16xf32>,
        %lt3A_452 = arith.cmpf olt, %gather3A_451, %add3A_443 : vector<16xf32>
        %and3A_453 = arith.andi %while3A_450, %lt3A_452 : vector<16xi1>
        scf.yield %and3A_453 : vector<16xi1>
      }
      %scan3A_449 = arith.constant 0 : i32
      scf.yield %scan3A_449 : i32
    }
    %scan3A_204 = arith.constant 8 : i32
    %mul3A_205 = arith.constant 128 : i32
    %mul3A_206 = arith.muli %arg1, %mul3A_205 : i32
    %add3A_207 = arith.constant 0 : i32
    %add3A_208 = arith.addi %add3A_207, %mul3A_206 : i32
    "tpu.region"() ({
      %run_scoped3A = tpu.sem_alloc : memref<!tpu.dma_semaphore, #tpu.memory_space<semaphore_mem>>
      %dma_start3A_395 = tpu.memref_slice %arg15[%add3A_208] : memref<4096xf32, #tpu.memory_space<vmem_shared>> -> memref<128xf32, #tpu.memory_space<vmem_shared>>
      %dma_start3A_396 = tpu.memref_slice %arg15[%add3A_208] : memref<4096xf32, #tpu.memory_space<vmem_shared>> -> memref<128xf32, #tpu.memory_space<vmem_shared>>
      tpu.enqueue_dma source(%arg10 : memref<128xf32, #tpu.memory_space<vmem>>) target(%dma_start3A_396 : memref<128xf32, #tpu.memory_space<vmem_shared>>) target_semaphore(%run_scoped3A : memref<!tpu.dma_semaphore, #tpu.memory_space<semaphore_mem>>)
      %dma_wait3A_397 = tpu.memref_slice %arg15[%add3A_208] : memref<4096xf32, #tpu.memory_space<vmem_shared>> -> memref<128xf32, #tpu.memory_space<vmem_shared>>
      %dma_wait3A_398 = tpu.memref_slice %arg15[%add3A_208] : memref<4096xf32, #tpu.memory_space<vmem_shared>> -> memref<128xf32, #tpu.memory_space<vmem_shared>>
      tpu.wait_dma2 semaphore(%run_scoped3A : memref<!tpu.dma_semaphore, #tpu.memory_space<semaphore_mem>>) src(%arg10 : memref<128xf32, #tpu.memory_space<vmem>>) dst(%dma_wait3A_398 : memref<128xf32, #tpu.memory_space<vmem_shared>>)
      tpu.yield
    }) : () -> ()
    %barrier3A_209 = arith.constant 0 : index
    tpu.barrier barrier_id(%barrier3A_209)
    "tpu.region"() ({
      %run_scoped3A = tpu.sem_alloc : memref<!tpu.dma_semaphore, #tpu.memory_space<semaphore_mem>>
      %dma_start3A_395 = arith.constant 0 : i32
      %dma_start3A_396 = tpu.memref_slice %arg15[%dma_start3A_395] : memref<4096xf32, #tpu.memory_space<vmem_shared>> -> memref<2048xf32, #tpu.memory_space<vmem_shared>>
      %dma_start3A_397 = arith.constant 0 : i32
      %dma_start3A_398 = tpu.memref_slice %arg15[%dma_start3A_397] : memref<4096xf32, #tpu.memory_space<vmem_shared>> -> memref<2048xf32, #tpu.memory_space<vmem_shared>>
      tpu.enqueue_dma source(%dma_start3A_398 : memref<2048xf32, #tpu.memory_space<vmem_shared>>) target(%arg12 : memref<2048xf32, #tpu.memory_space<vmem>>) target_semaphore(%run_scoped3A : memref<!tpu.dma_semaphore, #tpu.memory_space<semaphore_mem>>)
      %dma_wait3A_399 = arith.constant 0 : i32
      %dma_wait3A_400 = tpu.memref_slice %arg15[%dma_wait3A_399] : memref<4096xf32, #tpu.memory_space<vmem_shared>> -> memref<2048xf32, #tpu.memory_space<vmem_shared>>
      %dma_wait3A_401 = arith.constant 0 : i32
      %dma_wait3A_402 = tpu.memref_slice %arg15[%dma_wait3A_401] : memref<4096xf32, #tpu.memory_space<vmem_shared>> -> memref<2048xf32, #tpu.memory_space<vmem_shared>>
      tpu.wait_dma2 semaphore(%run_scoped3A : memref<!tpu.dma_semaphore, #tpu.memory_space<semaphore_mem>>) src(%dma_wait3A_402 : memref<2048xf32, #tpu.memory_space<vmem_shared>>) dst(%arg12 : memref<2048xf32, #tpu.memory_space<vmem>>)
      tpu.yield
    }) : () -> ()
    %jit3A_210 = arith.constant 2 : i32
    %div3A_211 = arith.divsi %arg1, %jit3A_210 : i32
    %sign3A_212 = arith.constant 0 : i32
    %sign3A_213 = arith.cmpi sgt, %arg1, %sign3A_212 : i32
    %sign3A_214 = arith.extui %sign3A_213 : i1 to i32
    %sign3A_215 = arith.constant 0 : i32
    %sign3A_216 = arith.cmpi slt, %arg1, %sign3A_215 : i32
    %sign3A_217 = arith.extui %sign3A_216 : i1 to i32
    %sign3A_218 = arith.subi %sign3A_214, %sign3A_217 : i32
    %sign3A_219 = arith.constant 0 : i32
    %sign3A_220 = arith.cmpi sgt, %jit3A_210, %sign3A_219 : i32
    %sign3A_221 = arith.extui %sign3A_220 : i1 to i32
    %sign3A_222 = arith.constant 0 : i32
    %sign3A_223 = arith.cmpi slt, %jit3A_210, %sign3A_222 : i32
    %sign3A_224 = arith.extui %sign3A_223 : i1 to i32
    %sign3A_225 = arith.subi %sign3A_221, %sign3A_224 : i32
    %ne3A_226 = arith.cmpi ne, %sign3A_218, %sign3A_225 : i32
    %rem3A_227 = arith.remsi %arg1, %jit3A_210 : i32
    %ne3A_228 = arith.constant 0 : i32
    %ne3A_229 = arith.cmpi ne, %rem3A_227, %ne3A_228 : i32
    %and3A_230 = arith.andi %ne3A_226, %ne3A_229 : i1
    %sub3A_231 = arith.constant 1 : i32
    %sub3A_232 = arith.subi %div3A_211, %sub3A_231 : i32
    %select_n3A_233 = arith.select %and3A_230, %sub3A_232, %div3A_211 : i32
    %mul3A_234 = arith.constant 16 : i32
    %mul3A_235 = arith.muli %mul3A_234, %select_n3A_233 : i32
    %get3A_236 = arith.index_cast %mul3A_235 : i32 to index
    %get3A_237 = tpu.vector_load %arg12[%get3A_236] {strides = array<i32>} : memref<2048xf32, #tpu.memory_space<vmem>>, vector<16xf32>,
    %scan3A_238 = arith.constant 1 : i32
    %scan3A_239 = arith.constant 15 : i32
    %scan3A_240 = arith.addi %scan3A_238, %scan3A_239 : i32
    %scan3A_241 = arith.constant 1 : i32
    %scan3A_242 = scf.for %scan3A_395 = %scan3A_238 to %scan3A_240 step %scan3A_241 iter_args(%scan3A_396 = %get3A_237) -> (vector<16xf32>)  : i32 {
      %mul3A_397 = arith.constant 128 : i32
      %mul3A_398 = arith.muli %scan3A_395, %mul3A_397 : i32
      %add3A_399 = arith.addi %mul3A_398, %mul3A_235 : i32
      %get3A_400 = arith.index_cast %add3A_399 : i32 to index
      %get3A_401 = tpu.vector_load %arg12[%get3A_400] {strides = array<i32>} : memref<2048xf32, #tpu.memory_space<vmem>>, vector<16xf32>,
      %max3A = arith.maximumf %scan3A_396, %get3A_401 : vector<16xf32>
      scf.yield %max3A : vector<16xf32>
    }
    %scan3A_243 = arith.constant 15 : i32
    %swap3A_244 = arith.constant 0 : index
    %swap3A_245 = tpu.vector_load %arg13[%swap3A_244] {strides = array<i32>} : memref<16xf32, #tpu.memory_space<vmem>>, vector<16xf32>,
    tpu.vector_store %arg13[%swap3A_244], %scan3A_242 {strides = array<i32>} : memref<16xf32, #tpu.memory_space<vmem>>, vector<16xf32>,
    %scan3A_246 = arith.constant 0 : i32
    %scan3A_247 = arith.constant 0 : i32
    %scan3A_248 = arith.constant 8 : i32
    %scan3A_249 = arith.addi %scan3A_247, %scan3A_248 : i32
    %scan3A_250 = arith.constant 1 : i32
    %scan3A_251 = scf.for %scan3A_395 = %scan3A_247 to %scan3A_249 step %scan3A_250 iter_args(%scan3A_396 = %scan3A_246) -> (i32)  : i32 {
      %broadcast_in_dim3A_397 = arith.constant 0.000000e+00 : f32
      %broadcast_in_dim3A_398 = vector.broadcast %broadcast_in_dim3A_397 : f32 to vector<16xf32>
      %mul3A_399 = arith.constant 16 : i32
      %mul3A_400 = arith.muli %mul3A_399, %scan3A_395 : i32
      %add3A_401 = arith.constant 128 : i32
      %add3A_402 = arith.addi %add3A_401, %mul3A_400 : i32
      %get3A_403 = arith.index_cast %add3A_402 : i32 to index
      %get3A_404 = tpu.vector_load %arg11[%get3A_403] {strides = array<i32>} : memref<512xf32, #tpu.memory_space<vmem>>, vector<16xf32>,
      %mul3A_405 = arith.constant 16 : i32
      %mul3A_406 = arith.muli %mul3A_405, %scan3A_395 : i32
      %add3A_407 = arith.constant 1152 : i32
      %add3A_408 = arith.addi %add3A_407, %mul3A_406 : i32
      %get3A_409 = arith.index_cast %add3A_408 : i32 to index
      %get3A_410 = tpu.vector_load %arg6[%get3A_409] {strides = array<i32>} : memref<2048xf32, #tpu.memory_space<vmem>>, vector<16xf32>,
      %mul3A_411 = arith.mulf %get3A_404, %get3A_410 : vector<16xf32>
      %add3A_412 = arith.addf %broadcast_in_dim3A_398, %mul3A_411 : vector<16xf32>
      %mul3A_413 = arith.constant 16 : i32
      %mul3A_414 = arith.muli %mul3A_413, %scan3A_395 : i32
      %add3A_415 = arith.constant 0 : i32
      %add3A_416 = arith.addi %add3A_415, %mul3A_414 : i32
      %get3A_417 = arith.index_cast %add3A_416 : i32 to index
      %get3A_418 = tpu.vector_load %arg11[%get3A_417] {strides = array<i32>} : memref<512xf32, #tpu.memory_space<vmem>>, vector<16xf32>,
      %mul3A_419 = arith.constant 16 : i32
      %mul3A_420 = arith.muli %mul3A_419, %scan3A_395 : i32
      %add3A_421 = arith.constant 1408 : i32
      %add3A_422 = arith.addi %add3A_421, %mul3A_420 : i32
      %get3A_423 = arith.index_cast %add3A_422 : i32 to index
      %get3A_424 = tpu.vector_load %arg6[%get3A_423] {strides = array<i32>} : memref<2048xf32, #tpu.memory_space<vmem>>, vector<16xf32>,
      %mul3A_425 = arith.mulf %get3A_418, %get3A_424 : vector<16xf32>
      %add3A_426 = arith.addf %add3A_412, %mul3A_425 : vector<16xf32>
      %mul3A_427 = arith.constant 16 : i32
      %mul3A_428 = arith.muli %mul3A_427, %scan3A_395 : i32
      %add3A_429 = arith.constant 512 : i32
      %add3A_430 = arith.addi %add3A_429, %mul3A_428 : i32
      %get3A_431 = arith.index_cast %add3A_430 : i32 to index
      %get3A_432 = tpu.vector_load %arg6[%get3A_431] {strides = array<i32>} : memref<2048xf32, #tpu.memory_space<vmem>>, vector<16xf32>,
      %mul3A_433 = arith.constant 16 : i32
      %mul3A_434 = arith.muli %mul3A_433, %scan3A_395 : i32
      %add3A_435 = arith.constant 1024 : i32
      %add3A_436 = arith.addi %add3A_435, %mul3A_434 : i32
      %get3A_437 = arith.index_cast %add3A_436 : i32 to index
      %get3A_438 = tpu.vector_load %arg6[%get3A_437] {strides = array<i32>} : memref<2048xf32, #tpu.memory_space<vmem>>, vector<16xf32>,
      %add3A_439 = arith.addf %get3A_432, %get3A_438 : vector<16xf32>
      %get3A_440 = arith.constant 32 : index
      %get3A_441 = tpu.vector_load %arg9[%get3A_440] {strides = array<i32>} : memref<128xf32, #tpu.memory_space<vmem>>, vector<16xf32>,
      %add3A_442 = arith.addf %add3A_439, %get3A_441 : vector<16xf32>
      %add3A_443 = arith.addf %add3A_442, %add3A_426 : vector<16xf32>
      %add3A_444 = arith.addi %mul3A_72, %scan3A_395 : i32
      %broadcast_in_dim3A_445 = vector.broadcast %add3A_444 : i32 to vector<16xi32>
      %gather3A_446 = tpu.vector_load_idx %arg13[%broadcast_in_dim3A_445] : memref<16xf32, #tpu.memory_space<vmem>>[vector<16xi32>], vector<16xf32>,
      %max3A = arith.maximumf %add3A_443, %gather3A_446 : vector<16xf32>
      %neg3A = arith.constant 0.000000e+00 : f32
      %neg3A_447 = vector.broadcast %neg3A : f32 to vector<16xf32>
      %neg3A_448 = arith.subf %neg3A_447, %max3A : vector<16xf32>
      %exp3A = math.exp %neg3A_448 : vector<16xf32>
      %add3A_449 = arith.constant 1.000000e+00 : f32
      %add3A_450 = vector.broadcast %add3A_449 : f32 to vector<16xf32>
      %add3A_451 = arith.addf %add3A_450, %exp3A : vector<16xf32>
      %div3A_452 = arith.constant 1.000000e+00 : f32
      %div3A_453 = vector.broadcast %div3A_452 : f32 to vector<16xf32>
      %div3A_454 = arith.divf %div3A_453, %add3A_451 : vector<16xf32>
      %mul3A_455 = arith.constant 16 : i32
      %mul3A_456 = arith.muli %mul3A_455, %scan3A_395 : i32
      %add3A_457 = arith.constant 256 : i32
      %add3A_458 = arith.addi %add3A_457, %mul3A_456 : i32
      %swap3A_459 = arith.index_cast %add3A_458 : i32 to index
      %swap3A_460 = tpu.vector_load %arg11[%swap3A_459] {strides = array<i32>} : memref<512xf32, #tpu.memory_space<vmem>>, vector<16xf32>,
      tpu.vector_store %arg11[%swap3A_459], %div3A_454 {strides = array<i32>} : memref<512xf32, #tpu.memory_space<vmem>>, vector<16xf32>,
      %scan3A_461 = arith.constant 0 : i32
      scf.yield %scan3A_461 : i32
    }
    %scan3A_252 = arith.constant 8 : i32
    %scan3A_253 = arith.constant 0 : i32
    %scan3A_254 = arith.constant 0 : i32
    %scan3A_255 = arith.constant 8 : i32
    %scan3A_256 = arith.addi %scan3A_254, %scan3A_255 : i32
    %scan3A_257 = arith.constant 1 : i32
    %scan3A_258 = scf.for %scan3A_395 = %scan3A_254 to %scan3A_256 step %scan3A_257 iter_args(%scan3A_396 = %scan3A_253) -> (i32)  : i32 {
      %broadcast_in_dim3A_397 = arith.constant -1.000000e+30 : f32
      %broadcast_in_dim3A_398 = vector.broadcast %broadcast_in_dim3A_397 : f32 to vector<16xf32>
      %mul3A_399 = arith.constant 16 : i32
      %mul3A_400 = arith.muli %mul3A_399, %scan3A_395 : i32
      %swap3A_401 = arith.index_cast %mul3A_400 : i32 to index
      %swap3A_402 = tpu.vector_load %arg10[%swap3A_401] {strides = array<i32>} : memref<128xf32, #tpu.memory_space<vmem>>, vector<16xf32>,
      tpu.vector_store %arg10[%swap3A_401], %broadcast_in_dim3A_398 {strides = array<i32>} : memref<128xf32, #tpu.memory_space<vmem>>, vector<16xf32>,
      %scan3A_403 = arith.constant 0 : i32
      scf.yield %scan3A_403 : i32
    }
    %scan3A_259 = arith.constant 8 : i32
    %scan3A_260 = arith.constant 0 : i32
    %scan3A_261 = arith.constant 0 : i32
    %scan3A_262 = arith.constant 8 : i32
    %scan3A_263 = arith.addi %scan3A_261, %scan3A_262 : i32
    %scan3A_264 = arith.constant 1 : i32
    %scan3A_265 = scf.for %scan3A_395 = %scan3A_261 to %scan3A_263 step %scan3A_264 iter_args(%scan3A_396 = %scan3A_260) -> (i32)  : i32 {
      %broadcast_in_dim3A_397 = arith.constant 0.000000e+00 : f32
      %broadcast_in_dim3A_398 = vector.broadcast %broadcast_in_dim3A_397 : f32 to vector<16xf32>
      %mul3A_399 = arith.constant 16 : i32
      %mul3A_400 = arith.muli %mul3A_399, %scan3A_395 : i32
      %add3A_401 = arith.constant 256 : i32
      %add3A_402 = arith.addi %add3A_401, %mul3A_400 : i32
      %get3A_403 = arith.index_cast %add3A_402 : i32 to index
      %get3A_404 = tpu.vector_load %arg11[%get3A_403] {strides = array<i32>} : memref<512xf32, #tpu.memory_space<vmem>>, vector<16xf32>,
      %mul3A_405 = arith.constant 16 : i32
      %mul3A_406 = arith.muli %mul3A_405, %scan3A_395 : i32
      %add3A_407 = arith.constant 1280 : i32
      %add3A_408 = arith.addi %add3A_407, %mul3A_406 : i32
      %get3A_409 = arith.index_cast %add3A_408 : i32 to index
      %get3A_410 = tpu.vector_load %arg6[%get3A_409] {strides = array<i32>} : memref<2048xf32, #tpu.memory_space<vmem>>, vector<16xf32>,
      %mul3A_411 = arith.mulf %get3A_404, %get3A_410 : vector<16xf32>
      %add3A_412 = arith.addf %broadcast_in_dim3A_398, %mul3A_411 : vector<16xf32>
      %mul3A_413 = arith.constant 16 : i32
      %mul3A_414 = arith.muli %mul3A_413, %scan3A_395 : i32
      %add3A_415 = arith.constant 128 : i32
      %add3A_416 = arith.addi %add3A_415, %mul3A_414 : i32
      %get3A_417 = arith.index_cast %add3A_416 : i32 to index
      %get3A_418 = tpu.vector_load %arg11[%get3A_417] {strides = array<i32>} : memref<512xf32, #tpu.memory_space<vmem>>, vector<16xf32>,
      %mul3A_419 = arith.constant 16 : i32
      %mul3A_420 = arith.muli %mul3A_419, %scan3A_395 : i32
      %add3A_421 = arith.constant 1536 : i32
      %add3A_422 = arith.addi %add3A_421, %mul3A_420 : i32
      %get3A_423 = arith.index_cast %add3A_422 : i32 to index
      %get3A_424 = tpu.vector_load %arg6[%get3A_423] {strides = array<i32>} : memref<2048xf32, #tpu.memory_space<vmem>>, vector<16xf32>,
      %mul3A_425 = arith.mulf %get3A_418, %get3A_424 : vector<16xf32>
      %add3A_426 = arith.addf %add3A_412, %mul3A_425 : vector<16xf32>
      %mul3A_427 = arith.constant 16 : i32
      %mul3A_428 = arith.muli %mul3A_427, %scan3A_395 : i32
      %add3A_429 = arith.constant 0 : i32
      %add3A_430 = arith.addi %add3A_429, %mul3A_428 : i32
      %get3A_431 = arith.index_cast %add3A_430 : i32 to index
      %get3A_432 = tpu.vector_load %arg11[%get3A_431] {strides = array<i32>} : memref<512xf32, #tpu.memory_space<vmem>>, vector<16xf32>,
      %mul3A_433 = arith.constant 16 : i32
      %mul3A_434 = arith.muli %mul3A_433, %scan3A_395 : i32
      %add3A_435 = arith.constant 1792 : i32
      %add3A_436 = arith.addi %add3A_435, %mul3A_434 : i32
      %get3A_437 = arith.index_cast %add3A_436 : i32 to index
      %get3A_438 = tpu.vector_load %arg6[%get3A_437] {strides = array<i32>} : memref<2048xf32, #tpu.memory_space<vmem>>, vector<16xf32>,
      %mul3A_439 = arith.mulf %get3A_432, %get3A_438 : vector<16xf32>
      %add3A_440 = arith.addf %add3A_426, %mul3A_439 : vector<16xf32>
      %mul3A_441 = arith.constant 16 : i32
      %mul3A_442 = arith.muli %mul3A_441, %scan3A_395 : i32
      %add3A_443 = arith.constant 896 : i32
      %add3A_444 = arith.addi %add3A_443, %mul3A_442 : i32
      %get3A_445 = arith.index_cast %add3A_444 : i32 to index
      %get3A_446 = tpu.vector_load %arg6[%get3A_445] {strides = array<i32>} : memref<2048xf32, #tpu.memory_space<vmem>>, vector<16xf32>,
      %mul3A_447 = arith.constant 16 : i32
      %mul3A_448 = arith.muli %mul3A_447, %scan3A_395 : i32
      %add3A_449 = arith.constant 1920 : i32
      %add3A_450 = arith.addi %add3A_449, %mul3A_448 : i32
      %get3A_451 = arith.index_cast %add3A_450 : i32 to index
      %get3A_452 = tpu.vector_load %arg6[%get3A_451] {strides = array<i32>} : memref<2048xf32, #tpu.memory_space<vmem>>, vector<16xf32>,
      %add3A_453 = arith.addf %get3A_446, %get3A_452 : vector<16xf32>
      %get3A_454 = arith.constant 112 : index
      %get3A_455 = tpu.vector_load %arg9[%get3A_454] {strides = array<i32>} : memref<128xf32, #tpu.memory_space<vmem>>, vector<16xf32>,
      %add3A_456 = arith.addf %add3A_453, %get3A_455 : vector<16xf32>
      %add3A_457 = arith.addf %add3A_456, %add3A_440 : vector<16xf32>
      %mul3A_458 = arith.constant 16 : i32
      %mul3A_459 = arith.muli %mul3A_458, %scan3A_395 : i32
      %get3A_460 = arith.index_cast %mul3A_459 : i32 to index
      %get3A_461 = tpu.vector_load %arg7[%get3A_460] {strides = array<i32>} : memref<128xi32, #tpu.memory_space<vmem>>, vector<16xi32>,
      %gather3A_462 = tpu.vector_load_idx %arg10[%get3A_461] : memref<128xf32, #tpu.memory_space<vmem>>[vector<16xi32>], vector<16xf32>,
      %gt3A = arith.cmpf ogt, %add3A_457, %gather3A_462 : vector<16xf32>
      %while3A = scf.while (%while3A_464 = %gt3A) : (vector<16xi1>) -> vector<16xi1> {
        %reduce_or3A = arith.constant 1.000000e+00 : f32
        %reduce_or3A_465 = arith.constant 0.000000e+00 : f32
        %reduce_or3A_466 = vector.broadcast %reduce_or3A : f32 to vector<16xf32>
        %reduce_or3A_467 = vector.broadcast %reduce_or3A_465 : f32 to vector<16xf32>
        %reduce_or3A_468 = arith.select %while3A_464, %reduce_or3A_466, %reduce_or3A_467 : vector<16xi1>, vector<16xf32>
        %reduce_or3A_469 = arith.constant true
        %reduce_or3A_470 = vector.broadcast %reduce_or3A_469 : i1 to vector<16xi1>
        %reduce_or3A_471 = tpu.scan <max>, %reduce_or3A_468 masked %reduce_or3A_470 : vector<16xf32>, vector<16xi1> -> vector<16xf32>
        %reduce_or3A_472 = vector.extract %reduce_or3A_471[15] : f32 from vector<16xf32>
        %reduce_or3A_473 = arith.constant 0.000000e+00 : f32
        %reduce_or3A_474 = arith.cmpf ogt, %reduce_or3A_472, %reduce_or3A_473 : f32
        scf.condition(%reduce_or3A_474) %while3A_464 : vector<16xi1>
      } do {
      ^bb0(%while3A_464: vector<16xi1>):
        tpu.vector_store_idx %arg10[%get3A_461], %add3A_457 masked %while3A_464 : memref<128xf32, #tpu.memory_space<vmem>>[vector<16xi32>], vector<16xf32>, vector<16xi1>
        %gather3A_465 = tpu.vector_load_idx %arg10[%get3A_461] : memref<128xf32, #tpu.memory_space<vmem>>[vector<16xi32>], vector<16xf32>,
        %lt3A_466 = arith.cmpf olt, %gather3A_465, %add3A_457 : vector<16xf32>
        %and3A_467 = arith.andi %while3A_464, %lt3A_466 : vector<16xi1>
        scf.yield %and3A_467 : vector<16xi1>
      }
      %scan3A_463 = arith.constant 0 : i32
      scf.yield %scan3A_463 : i32
    }
    %scan3A_266 = arith.constant 8 : i32
    %mul3A_267 = arith.constant 128 : i32
    %mul3A_268 = arith.muli %arg1, %mul3A_267 : i32
    %add3A_269 = arith.constant 2048 : i32
    %add3A_270 = arith.addi %add3A_269, %mul3A_268 : i32
    "tpu.region"() ({
      %run_scoped3A = tpu.sem_alloc : memref<!tpu.dma_semaphore, #tpu.memory_space<semaphore_mem>>
      %dma_start3A_395 = tpu.memref_slice %arg15[%add3A_270] : memref<4096xf32, #tpu.memory_space<vmem_shared>> -> memref<128xf32, #tpu.memory_space<vmem_shared>>
      %dma_start3A_396 = tpu.memref_slice %arg15[%add3A_270] : memref<4096xf32, #tpu.memory_space<vmem_shared>> -> memref<128xf32, #tpu.memory_space<vmem_shared>>
      tpu.enqueue_dma source(%arg10 : memref<128xf32, #tpu.memory_space<vmem>>) target(%dma_start3A_396 : memref<128xf32, #tpu.memory_space<vmem_shared>>) target_semaphore(%run_scoped3A : memref<!tpu.dma_semaphore, #tpu.memory_space<semaphore_mem>>)
      %dma_wait3A_397 = tpu.memref_slice %arg15[%add3A_270] : memref<4096xf32, #tpu.memory_space<vmem_shared>> -> memref<128xf32, #tpu.memory_space<vmem_shared>>
      %dma_wait3A_398 = tpu.memref_slice %arg15[%add3A_270] : memref<4096xf32, #tpu.memory_space<vmem_shared>> -> memref<128xf32, #tpu.memory_space<vmem_shared>>
      tpu.wait_dma2 semaphore(%run_scoped3A : memref<!tpu.dma_semaphore, #tpu.memory_space<semaphore_mem>>) src(%arg10 : memref<128xf32, #tpu.memory_space<vmem>>) dst(%dma_wait3A_398 : memref<128xf32, #tpu.memory_space<vmem_shared>>)
      tpu.yield
    }) : () -> ()
    %barrier3A_271 = arith.constant 0 : index
    tpu.barrier barrier_id(%barrier3A_271)
    "tpu.region"() ({
      %run_scoped3A = tpu.sem_alloc : memref<!tpu.dma_semaphore, #tpu.memory_space<semaphore_mem>>
      %dma_start3A_395 = arith.constant 2048 : i32
      %dma_start3A_396 = tpu.memref_slice %arg15[%dma_start3A_395] : memref<4096xf32, #tpu.memory_space<vmem_shared>> -> memref<2048xf32, #tpu.memory_space<vmem_shared>>
      %dma_start3A_397 = arith.constant 2048 : i32
      %dma_start3A_398 = tpu.memref_slice %arg15[%dma_start3A_397] : memref<4096xf32, #tpu.memory_space<vmem_shared>> -> memref<2048xf32, #tpu.memory_space<vmem_shared>>
      tpu.enqueue_dma source(%dma_start3A_398 : memref<2048xf32, #tpu.memory_space<vmem_shared>>) target(%arg12 : memref<2048xf32, #tpu.memory_space<vmem>>) target_semaphore(%run_scoped3A : memref<!tpu.dma_semaphore, #tpu.memory_space<semaphore_mem>>)
      %dma_wait3A_399 = arith.constant 2048 : i32
      %dma_wait3A_400 = tpu.memref_slice %arg15[%dma_wait3A_399] : memref<4096xf32, #tpu.memory_space<vmem_shared>> -> memref<2048xf32, #tpu.memory_space<vmem_shared>>
      %dma_wait3A_401 = arith.constant 2048 : i32
      %dma_wait3A_402 = tpu.memref_slice %arg15[%dma_wait3A_401] : memref<4096xf32, #tpu.memory_space<vmem_shared>> -> memref<2048xf32, #tpu.memory_space<vmem_shared>>
      tpu.wait_dma2 semaphore(%run_scoped3A : memref<!tpu.dma_semaphore, #tpu.memory_space<semaphore_mem>>) src(%dma_wait3A_402 : memref<2048xf32, #tpu.memory_space<vmem_shared>>) dst(%arg12 : memref<2048xf32, #tpu.memory_space<vmem>>)
      tpu.yield
    }) : () -> ()
    %jit3A_272 = arith.constant 2 : i32
    %div3A_273 = arith.divsi %arg1, %jit3A_272 : i32
    %sign3A_274 = arith.constant 0 : i32
    %sign3A_275 = arith.cmpi sgt, %arg1, %sign3A_274 : i32
    %sign3A_276 = arith.extui %sign3A_275 : i1 to i32
    %sign3A_277 = arith.constant 0 : i32
    %sign3A_278 = arith.cmpi slt, %arg1, %sign3A_277 : i32
    %sign3A_279 = arith.extui %sign3A_278 : i1 to i32
    %sign3A_280 = arith.subi %sign3A_276, %sign3A_279 : i32
    %sign3A_281 = arith.constant 0 : i32
    %sign3A_282 = arith.cmpi sgt, %jit3A_272, %sign3A_281 : i32
    %sign3A_283 = arith.extui %sign3A_282 : i1 to i32
    %sign3A_284 = arith.constant 0 : i32
    %sign3A_285 = arith.cmpi slt, %jit3A_272, %sign3A_284 : i32
    %sign3A_286 = arith.extui %sign3A_285 : i1 to i32
    %sign3A_287 = arith.subi %sign3A_283, %sign3A_286 : i32
    %ne3A_288 = arith.cmpi ne, %sign3A_280, %sign3A_287 : i32
    %rem3A_289 = arith.remsi %arg1, %jit3A_272 : i32
    %ne3A_290 = arith.constant 0 : i32
    %ne3A_291 = arith.cmpi ne, %rem3A_289, %ne3A_290 : i32
    %and3A_292 = arith.andi %ne3A_288, %ne3A_291 : i1
    %sub3A_293 = arith.constant 1 : i32
    %sub3A_294 = arith.subi %div3A_273, %sub3A_293 : i32
    %select_n3A_295 = arith.select %and3A_292, %sub3A_294, %div3A_273 : i32
    %mul3A_296 = arith.constant 16 : i32
    %mul3A_297 = arith.muli %mul3A_296, %select_n3A_295 : i32
    %get3A_298 = arith.index_cast %mul3A_297 : i32 to index
    %get3A_299 = tpu.vector_load %arg12[%get3A_298] {strides = array<i32>} : memref<2048xf32, #tpu.memory_space<vmem>>, vector<16xf32>,
    %scan3A_300 = arith.constant 1 : i32
    %scan3A_301 = arith.constant 15 : i32
    %scan3A_302 = arith.addi %scan3A_300, %scan3A_301 : i32
    %scan3A_303 = arith.constant 1 : i32
    %scan3A_304 = scf.for %scan3A_395 = %scan3A_300 to %scan3A_302 step %scan3A_303 iter_args(%scan3A_396 = %get3A_299) -> (vector<16xf32>)  : i32 {
      %mul3A_397 = arith.constant 128 : i32
      %mul3A_398 = arith.muli %scan3A_395, %mul3A_397 : i32
      %add3A_399 = arith.addi %mul3A_398, %mul3A_297 : i32
      %get3A_400 = arith.index_cast %add3A_399 : i32 to index
      %get3A_401 = tpu.vector_load %arg12[%get3A_400] {strides = array<i32>} : memref<2048xf32, #tpu.memory_space<vmem>>, vector<16xf32>,
      %max3A = arith.maximumf %scan3A_396, %get3A_401 : vector<16xf32>
      scf.yield %max3A : vector<16xf32>
    }
    %scan3A_305 = arith.constant 15 : i32
    %swap3A_306 = arith.constant 0 : index
    %swap3A_307 = tpu.vector_load %arg13[%swap3A_306] {strides = array<i32>} : memref<16xf32, #tpu.memory_space<vmem>>, vector<16xf32>,
    tpu.vector_store %arg13[%swap3A_306], %scan3A_304 {strides = array<i32>} : memref<16xf32, #tpu.memory_space<vmem>>, vector<16xf32>,
    %scan3A_308 = arith.constant 0 : i32
    %scan3A_309 = arith.constant 0 : i32
    %scan3A_310 = arith.constant 8 : i32
    %scan3A_311 = arith.addi %scan3A_309, %scan3A_310 : i32
    %scan3A_312 = arith.constant 1 : i32
    %scan3A_313 = scf.for %scan3A_395 = %scan3A_309 to %scan3A_311 step %scan3A_312 iter_args(%scan3A_396 = %scan3A_308) -> (i32)  : i32 {
      %broadcast_in_dim3A_397 = arith.constant 0.000000e+00 : f32
      %broadcast_in_dim3A_398 = vector.broadcast %broadcast_in_dim3A_397 : f32 to vector<16xf32>
      %mul3A_399 = arith.constant 16 : i32
      %mul3A_400 = arith.muli %mul3A_399, %scan3A_395 : i32
      %add3A_401 = arith.constant 256 : i32
      %add3A_402 = arith.addi %add3A_401, %mul3A_400 : i32
      %get3A_403 = arith.index_cast %add3A_402 : i32 to index
      %get3A_404 = tpu.vector_load %arg11[%get3A_403] {strides = array<i32>} : memref<512xf32, #tpu.memory_space<vmem>>, vector<16xf32>,
      %mul3A_405 = arith.constant 16 : i32
      %mul3A_406 = arith.muli %mul3A_405, %scan3A_395 : i32
      %add3A_407 = arith.constant 1152 : i32
      %add3A_408 = arith.addi %add3A_407, %mul3A_406 : i32
      %get3A_409 = arith.index_cast %add3A_408 : i32 to index
      %get3A_410 = tpu.vector_load %arg6[%get3A_409] {strides = array<i32>} : memref<2048xf32, #tpu.memory_space<vmem>>, vector<16xf32>,
      %mul3A_411 = arith.mulf %get3A_404, %get3A_410 : vector<16xf32>
      %add3A_412 = arith.addf %broadcast_in_dim3A_398, %mul3A_411 : vector<16xf32>
      %mul3A_413 = arith.constant 16 : i32
      %mul3A_414 = arith.muli %mul3A_413, %scan3A_395 : i32
      %add3A_415 = arith.constant 128 : i32
      %add3A_416 = arith.addi %add3A_415, %mul3A_414 : i32
      %get3A_417 = arith.index_cast %add3A_416 : i32 to index
      %get3A_418 = tpu.vector_load %arg11[%get3A_417] {strides = array<i32>} : memref<512xf32, #tpu.memory_space<vmem>>, vector<16xf32>,
      %mul3A_419 = arith.constant 16 : i32
      %mul3A_420 = arith.muli %mul3A_419, %scan3A_395 : i32
      %add3A_421 = arith.constant 1408 : i32
      %add3A_422 = arith.addi %add3A_421, %mul3A_420 : i32
      %get3A_423 = arith.index_cast %add3A_422 : i32 to index
      %get3A_424 = tpu.vector_load %arg6[%get3A_423] {strides = array<i32>} : memref<2048xf32, #tpu.memory_space<vmem>>, vector<16xf32>,
      %mul3A_425 = arith.mulf %get3A_418, %get3A_424 : vector<16xf32>
      %add3A_426 = arith.addf %add3A_412, %mul3A_425 : vector<16xf32>
      %mul3A_427 = arith.constant 16 : i32
      %mul3A_428 = arith.muli %mul3A_427, %scan3A_395 : i32
      %add3A_429 = arith.constant 0 : i32
      %add3A_430 = arith.addi %add3A_429, %mul3A_428 : i32
      %get3A_431 = arith.index_cast %add3A_430 : i32 to index
      %get3A_432 = tpu.vector_load %arg11[%get3A_431] {strides = array<i32>} : memref<512xf32, #tpu.memory_space<vmem>>, vector<16xf32>,
      %mul3A_433 = arith.constant 16 : i32
      %mul3A_434 = arith.muli %mul3A_433, %scan3A_395 : i32
      %add3A_435 = arith.constant 1664 : i32
      %add3A_436 = arith.addi %add3A_435, %mul3A_434 : i32
      %get3A_437 = arith.index_cast %add3A_436 : i32 to index
      %get3A_438 = tpu.vector_load %arg6[%get3A_437] {strides = array<i32>} : memref<2048xf32, #tpu.memory_space<vmem>>, vector<16xf32>,
      %mul3A_439 = arith.mulf %get3A_432, %get3A_438 : vector<16xf32>
      %add3A_440 = arith.addf %add3A_426, %mul3A_439 : vector<16xf32>
      %mul3A_441 = arith.constant 16 : i32
      %mul3A_442 = arith.muli %mul3A_441, %scan3A_395 : i32
      %add3A_443 = arith.constant 768 : i32
      %add3A_444 = arith.addi %add3A_443, %mul3A_442 : i32
      %get3A_445 = arith.index_cast %add3A_444 : i32 to index
      %get3A_446 = tpu.vector_load %arg6[%get3A_445] {strides = array<i32>} : memref<2048xf32, #tpu.memory_space<vmem>>, vector<16xf32>,
      %mul3A_447 = arith.constant 16 : i32
      %mul3A_448 = arith.muli %mul3A_447, %scan3A_395 : i32
      %add3A_449 = arith.constant 1024 : i32
      %add3A_450 = arith.addi %add3A_449, %mul3A_448 : i32
      %get3A_451 = arith.index_cast %add3A_450 : i32 to index
      %get3A_452 = tpu.vector_load %arg6[%get3A_451] {strides = array<i32>} : memref<2048xf32, #tpu.memory_space<vmem>>, vector<16xf32>,
      %add3A_453 = arith.addf %get3A_446, %get3A_452 : vector<16xf32>
      %get3A_454 = arith.constant 48 : index
      %get3A_455 = tpu.vector_load %arg9[%get3A_454] {strides = array<i32>} : memref<128xf32, #tpu.memory_space<vmem>>, vector<16xf32>,
      %add3A_456 = arith.addf %add3A_453, %get3A_455 : vector<16xf32>
      %add3A_457 = arith.addf %add3A_456, %add3A_440 : vector<16xf32>
      %add3A_458 = arith.addi %mul3A_72, %scan3A_395 : i32
      %broadcast_in_dim3A_459 = vector.broadcast %add3A_458 : i32 to vector<16xi32>
      %gather3A_460 = tpu.vector_load_idx %arg13[%broadcast_in_dim3A_459] : memref<16xf32, #tpu.memory_space<vmem>>[vector<16xi32>], vector<16xf32>,
      %max3A = arith.maximumf %add3A_457, %gather3A_460 : vector<16xf32>
      %neg3A = arith.constant 0.000000e+00 : f32
      %neg3A_461 = vector.broadcast %neg3A : f32 to vector<16xf32>
      %neg3A_462 = arith.subf %neg3A_461, %max3A : vector<16xf32>
      %exp3A = math.exp %neg3A_462 : vector<16xf32>
      %add3A_463 = arith.constant 1.000000e+00 : f32
      %add3A_464 = vector.broadcast %add3A_463 : f32 to vector<16xf32>
      %add3A_465 = arith.addf %add3A_464, %exp3A : vector<16xf32>
      %div3A_466 = arith.constant 1.000000e+00 : f32
      %div3A_467 = vector.broadcast %div3A_466 : f32 to vector<16xf32>
      %div3A_468 = arith.divf %div3A_467, %add3A_465 : vector<16xf32>
      %mul3A_469 = arith.constant 16 : i32
      %mul3A_470 = arith.muli %mul3A_469, %scan3A_395 : i32
      %add3A_471 = arith.constant 384 : i32
      %add3A_472 = arith.addi %add3A_471, %mul3A_470 : i32
      %swap3A_473 = arith.index_cast %add3A_472 : i32 to index
      %swap3A_474 = tpu.vector_load %arg11[%swap3A_473] {strides = array<i32>} : memref<512xf32, #tpu.memory_space<vmem>>, vector<16xf32>,
      tpu.vector_store %arg11[%swap3A_473], %div3A_468 {strides = array<i32>} : memref<512xf32, #tpu.memory_space<vmem>>, vector<16xf32>,
      %scan3A_475 = arith.constant 0 : i32
      scf.yield %scan3A_475 : i32
    }
    %scan3A_314 = arith.constant 8 : i32
    %mul3A_315 = arith.constant 128 : i32
    %mul3A_316 = arith.muli %arg1, %mul3A_315 : i32
    %dma_start3A_317 = arith.constant 0 : i32
    %dma_start3A_318 = arith.constant 0 : i32
    %dma_start3A_319 = tpu.memref_slice %arg11[%dma_start3A_318] : memref<512xf32, #tpu.memory_space<vmem>> -> memref<128xf32, #tpu.memory_space<vmem>>
    %dma_start3A_320 = tpu.memref_slice %arg5[%dma_start3A_317, %arg0, %mul3A_316] : memref<4x2x2048xf32, #tpu.memory_space<hbm>> -> memref<1x1x128xf32, #tpu.memory_space<hbm>>
    %dma_start3A_321 = tpu.memref_squeeze %dma_start3A_320 : memref<1x1x128xf32, #tpu.memory_space<hbm>> -> memref<128xf32, #tpu.memory_space<hbm>>
    %dma_start3A_322 = tpu.memref_slice %arg5[%dma_start3A_317, %arg0, %mul3A_316] : memref<4x2x2048xf32, #tpu.memory_space<hbm>> -> memref<1x1x128xf32, #tpu.memory_space<hbm>>
    %dma_start3A_323 = tpu.memref_squeeze %dma_start3A_322 : memref<1x1x128xf32, #tpu.memory_space<hbm>> -> memref<128xf32, #tpu.memory_space<hbm>>
    %dma_start3A_324 = arith.constant 0 : i32
    %dma_start3A_325 = tpu.memref_slice %arg11[%dma_start3A_324] : memref<512xf32, #tpu.memory_space<vmem>> -> memref<128xf32, #tpu.memory_space<vmem>>
    tpu.enqueue_dma source(%dma_start3A_325 : memref<128xf32, #tpu.memory_space<vmem>>) target(%dma_start3A_323 : memref<128xf32, #tpu.memory_space<hbm>>) target_semaphore(%arg14 : memref<!tpu.dma_semaphore, #tpu.memory_space<semaphore_mem>>)
    %mul3A_326 = arith.constant 128 : i32
    %mul3A_327 = arith.muli %arg1, %mul3A_326 : i32
    %dma_start3A_328 = arith.constant 1 : i32
    %dma_start3A_329 = arith.constant 128 : i32
    %dma_start3A_330 = tpu.memref_slice %arg11[%dma_start3A_329] : memref<512xf32, #tpu.memory_space<vmem>> -> memref<128xf32, #tpu.memory_space<vmem>>
    %dma_start3A_331 = tpu.memref_slice %arg5[%dma_start3A_328, %arg0, %mul3A_327] : memref<4x2x2048xf32, #tpu.memory_space<hbm>> -> memref<1x1x128xf32, #tpu.memory_space<hbm>>
    %dma_start3A_332 = tpu.memref_squeeze %dma_start3A_331 : memref<1x1x128xf32, #tpu.memory_space<hbm>> -> memref<128xf32, #tpu.memory_space<hbm>>
    %dma_start3A_333 = tpu.memref_slice %arg5[%dma_start3A_328, %arg0, %mul3A_327] : memref<4x2x2048xf32, #tpu.memory_space<hbm>> -> memref<1x1x128xf32, #tpu.memory_space<hbm>>
    %dma_start3A_334 = tpu.memref_squeeze %dma_start3A_333 : memref<1x1x128xf32, #tpu.memory_space<hbm>> -> memref<128xf32, #tpu.memory_space<hbm>>
    %dma_start3A_335 = arith.constant 128 : i32
    %dma_start3A_336 = tpu.memref_slice %arg11[%dma_start3A_335] : memref<512xf32, #tpu.memory_space<vmem>> -> memref<128xf32, #tpu.memory_space<vmem>>
    tpu.enqueue_dma source(%dma_start3A_336 : memref<128xf32, #tpu.memory_space<vmem>>) target(%dma_start3A_334 : memref<128xf32, #tpu.memory_space<hbm>>) target_semaphore(%arg14 : memref<!tpu.dma_semaphore, #tpu.memory_space<semaphore_mem>>)
    %mul3A_337 = arith.constant 128 : i32
    %mul3A_338 = arith.muli %arg1, %mul3A_337 : i32
    %dma_start3A_339 = arith.constant 2 : i32
    %dma_start3A_340 = arith.constant 256 : i32
    %dma_start3A_341 = tpu.memref_slice %arg11[%dma_start3A_340] : memref<512xf32, #tpu.memory_space<vmem>> -> memref<128xf32, #tpu.memory_space<vmem>>
    %dma_start3A_342 = tpu.memref_slice %arg5[%dma_start3A_339, %arg0, %mul3A_338] : memref<4x2x2048xf32, #tpu.memory_space<hbm>> -> memref<1x1x128xf32, #tpu.memory_space<hbm>>
    %dma_start3A_343 = tpu.memref_squeeze %dma_start3A_342 : memref<1x1x128xf32, #tpu.memory_space<hbm>> -> memref<128xf32, #tpu.memory_space<hbm>>
    %dma_start3A_344 = tpu.memref_slice %arg5[%dma_start3A_339, %arg0, %mul3A_338] : memref<4x2x2048xf32, #tpu.memory_space<hbm>> -> memref<1x1x128xf32, #tpu.memory_space<hbm>>
    %dma_start3A_345 = tpu.memref_squeeze %dma_start3A_344 : memref<1x1x128xf32, #tpu.memory_space<hbm>> -> memref<128xf32, #tpu.memory_space<hbm>>
    %dma_start3A_346 = arith.constant 256 : i32
    %dma_start3A_347 = tpu.memref_slice %arg11[%dma_start3A_346] : memref<512xf32, #tpu.memory_space<vmem>> -> memref<128xf32, #tpu.memory_space<vmem>>
    tpu.enqueue_dma source(%dma_start3A_347 : memref<128xf32, #tpu.memory_space<vmem>>) target(%dma_start3A_345 : memref<128xf32, #tpu.memory_space<hbm>>) target_semaphore(%arg14 : memref<!tpu.dma_semaphore, #tpu.memory_space<semaphore_mem>>)
    %mul3A_348 = arith.constant 128 : i32
    %mul3A_349 = arith.muli %arg1, %mul3A_348 : i32
    %dma_start3A_350 = arith.constant 3 : i32
    %dma_start3A_351 = arith.constant 384 : i32
    %dma_start3A_352 = tpu.memref_slice %arg11[%dma_start3A_351] : memref<512xf32, #tpu.memory_space<vmem>> -> memref<128xf32, #tpu.memory_space<vmem>>
    %dma_start3A_353 = tpu.memref_slice %arg5[%dma_start3A_350, %arg0, %mul3A_349] : memref<4x2x2048xf32, #tpu.memory_space<hbm>> -> memref<1x1x128xf32, #tpu.memory_space<hbm>>
    %dma_start3A_354 = tpu.memref_squeeze %dma_start3A_353 : memref<1x1x128xf32, #tpu.memory_space<hbm>> -> memref<128xf32, #tpu.memory_space<hbm>>
    %dma_start3A_355 = tpu.memref_slice %arg5[%dma_start3A_350, %arg0, %mul3A_349] : memref<4x2x2048xf32, #tpu.memory_space<hbm>> -> memref<1x1x128xf32, #tpu.memory_space<hbm>>
    %dma_start3A_356 = tpu.memref_squeeze %dma_start3A_355 : memref<1x1x128xf32, #tpu.memory_space<hbm>> -> memref<128xf32, #tpu.memory_space<hbm>>
    %dma_start3A_357 = arith.constant 384 : i32
    %dma_start3A_358 = tpu.memref_slice %arg11[%dma_start3A_357] : memref<512xf32, #tpu.memory_space<vmem>> -> memref<128xf32, #tpu.memory_space<vmem>>
    tpu.enqueue_dma source(%dma_start3A_358 : memref<128xf32, #tpu.memory_space<vmem>>) target(%dma_start3A_356 : memref<128xf32, #tpu.memory_space<hbm>>) target_semaphore(%arg14 : memref<!tpu.dma_semaphore, #tpu.memory_space<semaphore_mem>>)
    %dma_wait3A_359 = arith.constant 0 : i32
    %dma_wait3A_360 = arith.constant 0 : i32
    %dma_wait3A_361 = tpu.memref_slice %arg11[%dma_wait3A_360] : memref<512xf32, #tpu.memory_space<vmem>> -> memref<128xf32, #tpu.memory_space<vmem>>
    %dma_wait3A_362 = tpu.memref_slice %arg5[%dma_wait3A_359, %arg0, %mul3A_316] : memref<4x2x2048xf32, #tpu.memory_space<hbm>> -> memref<1x1x128xf32, #tpu.memory_space<hbm>>
    %dma_wait3A_363 = tpu.memref_squeeze %dma_wait3A_362 : memref<1x1x128xf32, #tpu.memory_space<hbm>> -> memref<128xf32, #tpu.memory_space<hbm>>
    %dma_wait3A_364 = tpu.memref_slice %arg5[%dma_wait3A_359, %arg0, %mul3A_316] : memref<4x2x2048xf32, #tpu.memory_space<hbm>> -> memref<1x1x128xf32, #tpu.memory_space<hbm>>
    %dma_wait3A_365 = tpu.memref_squeeze %dma_wait3A_364 : memref<1x1x128xf32, #tpu.memory_space<hbm>> -> memref<128xf32, #tpu.memory_space<hbm>>
    %dma_wait3A_366 = arith.constant 0 : i32
    %dma_wait3A_367 = tpu.memref_slice %arg11[%dma_wait3A_366] : memref<512xf32, #tpu.memory_space<vmem>> -> memref<128xf32, #tpu.memory_space<vmem>>
    tpu.wait_dma2 semaphore(%arg14 : memref<!tpu.dma_semaphore, #tpu.memory_space<semaphore_mem>>) src(%dma_wait3A_367 : memref<128xf32, #tpu.memory_space<vmem>>) dst(%dma_wait3A_365 : memref<128xf32, #tpu.memory_space<hbm>>)
    %dma_wait3A_368 = arith.constant 1 : i32
    %dma_wait3A_369 = arith.constant 128 : i32
    %dma_wait3A_370 = tpu.memref_slice %arg11[%dma_wait3A_369] : memref<512xf32, #tpu.memory_space<vmem>> -> memref<128xf32, #tpu.memory_space<vmem>>
    %dma_wait3A_371 = tpu.memref_slice %arg5[%dma_wait3A_368, %arg0, %mul3A_327] : memref<4x2x2048xf32, #tpu.memory_space<hbm>> -> memref<1x1x128xf32, #tpu.memory_space<hbm>>
    %dma_wait3A_372 = tpu.memref_squeeze %dma_wait3A_371 : memref<1x1x128xf32, #tpu.memory_space<hbm>> -> memref<128xf32, #tpu.memory_space<hbm>>
    %dma_wait3A_373 = tpu.memref_slice %arg5[%dma_wait3A_368, %arg0, %mul3A_327] : memref<4x2x2048xf32, #tpu.memory_space<hbm>> -> memref<1x1x128xf32, #tpu.memory_space<hbm>>
    %dma_wait3A_374 = tpu.memref_squeeze %dma_wait3A_373 : memref<1x1x128xf32, #tpu.memory_space<hbm>> -> memref<128xf32, #tpu.memory_space<hbm>>
    %dma_wait3A_375 = arith.constant 128 : i32
    %dma_wait3A_376 = tpu.memref_slice %arg11[%dma_wait3A_375] : memref<512xf32, #tpu.memory_space<vmem>> -> memref<128xf32, #tpu.memory_space<vmem>>
    tpu.wait_dma2 semaphore(%arg14 : memref<!tpu.dma_semaphore, #tpu.memory_space<semaphore_mem>>) src(%dma_wait3A_376 : memref<128xf32, #tpu.memory_space<vmem>>) dst(%dma_wait3A_374 : memref<128xf32, #tpu.memory_space<hbm>>)
    %dma_wait3A_377 = arith.constant 2 : i32
    %dma_wait3A_378 = arith.constant 256 : i32
    %dma_wait3A_379 = tpu.memref_slice %arg11[%dma_wait3A_378] : memref<512xf32, #tpu.memory_space<vmem>> -> memref<128xf32, #tpu.memory_space<vmem>>
    %dma_wait3A_380 = tpu.memref_slice %arg5[%dma_wait3A_377, %arg0, %mul3A_338] : memref<4x2x2048xf32, #tpu.memory_space<hbm>> -> memref<1x1x128xf32, #tpu.memory_space<hbm>>
    %dma_wait3A_381 = tpu.memref_squeeze %dma_wait3A_380 : memref<1x1x128xf32, #tpu.memory_space<hbm>> -> memref<128xf32, #tpu.memory_space<hbm>>
    %dma_wait3A_382 = tpu.memref_slice %arg5[%dma_wait3A_377, %arg0, %mul3A_338] : memref<4x2x2048xf32, #tpu.memory_space<hbm>> -> memref<1x1x128xf32, #tpu.memory_space<hbm>>
    %dma_wait3A_383 = tpu.memref_squeeze %dma_wait3A_382 : memref<1x1x128xf32, #tpu.memory_space<hbm>> -> memref<128xf32, #tpu.memory_space<hbm>>
    %dma_wait3A_384 = arith.constant 256 : i32
    %dma_wait3A_385 = tpu.memref_slice %arg11[%dma_wait3A_384] : memref<512xf32, #tpu.memory_space<vmem>> -> memref<128xf32, #tpu.memory_space<vmem>>
    tpu.wait_dma2 semaphore(%arg14 : memref<!tpu.dma_semaphore, #tpu.memory_space<semaphore_mem>>) src(%dma_wait3A_385 : memref<128xf32, #tpu.memory_space<vmem>>) dst(%dma_wait3A_383 : memref<128xf32, #tpu.memory_space<hbm>>)
    %dma_wait3A_386 = arith.constant 3 : i32
    %dma_wait3A_387 = arith.constant 384 : i32
    %dma_wait3A_388 = tpu.memref_slice %arg11[%dma_wait3A_387] : memref<512xf32, #tpu.memory_space<vmem>> -> memref<128xf32, #tpu.memory_space<vmem>>
    %dma_wait3A_389 = tpu.memref_slice %arg5[%dma_wait3A_386, %arg0, %mul3A_349] : memref<4x2x2048xf32, #tpu.memory_space<hbm>> -> memref<1x1x128xf32, #tpu.memory_space<hbm>>
    %dma_wait3A_390 = tpu.memref_squeeze %dma_wait3A_389 : memref<1x1x128xf32, #tpu.memory_space<hbm>> -> memref<128xf32, #tpu.memory_space<hbm>>
    %dma_wait3A_391 = tpu.memref_slice %arg5[%dma_wait3A_386, %arg0, %mul3A_349] : memref<4x2x2048xf32, #tpu.memory_space<hbm>> -> memref<1x1x128xf32, #tpu.memory_space<hbm>>
    %dma_wait3A_392 = tpu.memref_squeeze %dma_wait3A_391 : memref<1x1x128xf32, #tpu.memory_space<hbm>> -> memref<128xf32, #tpu.memory_space<hbm>>
    %dma_wait3A_393 = arith.constant 384 : i32
    %dma_wait3A_394 = tpu.memref_slice %arg11[%dma_wait3A_393] : memref<512xf32, #tpu.memory_space<vmem>> -> memref<128xf32, #tpu.memory_space<vmem>>
    tpu.wait_dma2 semaphore(%arg14 : memref<!tpu.dma_semaphore, #tpu.memory_space<semaphore_mem>>) src(%dma_wait3A_394 : memref<128xf32, #tpu.memory_space<vmem>>) dst(%dma_wait3A_392 : memref<128xf32, #tpu.memory_space<hbm>>)
    return
  }
}

module attributes {stable_mosaic.version = 14 : i64} {
  func.func @_k1_body(%arg0: i32, %arg1: i32, %arg2: memref<4x1x512x768xf32, #tpu.memory_space<vmem>>, %arg3: memref<1x512x768xf32, #tpu.memory_space<vmem>>, %arg4: memref<1x512x768xf32, #tpu.memory_space<vmem>>, %arg5: memref<7x768xf32, #tpu.memory_space<vmem>>, %arg6: memref<1536x768xf32, #tpu.memory_space<vmem>>, %arg7: memref<1x1xf32, #tpu.memory_space<vmem>>, %arg8: memref<1x1xf32, #tpu.memory_space<vmem>>, %arg9: memref<4x16x128xf32, #tpu.memory_space<vmem>>, %arg10: memref<1x16xf32, #tpu.memory_space<vmem>>, %arg11: memref<7x768xf32, #tpu.memory_space<vmem>>, %arg12: memref<2x768xf32, #tpu.memory_space<vmem>>) attributes {dimension_semantics = [#tpu.dimension_semantics<arbitrary>, #tpu.dimension_semantics<arbitrary>], iteration_bounds = array<i64: 2, 4>, scalar_prefetch = 0 : i64, scratch_operands = 2 : i64, tpu.core_type = #tpu.core_type<tc>, window_params = [{transform_indices = @transform_0, window_bounds = array<i64: 4, 1, 512, 768>}, {transform_indices = @transform_1, window_bounds = array<i64: 1, 512, 768>}, {transform_indices = @transform_2, window_bounds = array<i64: 1, 512, 768>}, {pipeline_mode = #tpu.pipeline_mode<synchronous>, transform_indices = @transform_3, window_bounds = array<i64: 7, 768>}, {pipeline_mode = #tpu.pipeline_mode<synchronous>, transform_indices = @transform_4, window_bounds = array<i64: 1536, 768>}, {pipeline_mode = #tpu.pipeline_mode<synchronous>, transform_indices = @transform_5, window_bounds = array<i64: 1, 1>}, {pipeline_mode = #tpu.pipeline_mode<synchronous>, transform_indices = @transform_6, window_bounds = array<i64: 1, 1>}, {transform_indices = @transform_7, window_bounds = array<i64: 4, 16, 128>}, {pipeline_mode = #tpu.pipeline_mode<synchronous>, transform_indices = @transform_8, window_bounds = array<i64: 1, 16>}]} {
    %eq3A = arith.constant 0 : i32
    %eq3A_0 = arith.cmpi eq, %arg0, %eq3A : i32
    %eq3A_1 = arith.constant 0 : i32
    %eq3A_2 = arith.cmpi eq, %arg1, %eq3A_1 : i32
    %and3A = arith.andi %eq3A_0, %eq3A_2 : i1
    %convert_element_type3A = arith.extui %and3A : i1 to i32
    %cond3A = arith.constant 0 : i32
    %cond3A_3 = arith.cmpi ne, %convert_element_type3A, %cond3A : i32
    scf.if %cond3A_3 {
      %get3A_223 = arith.constant 768 : index
      %get3A_224 = arith.constant 0 : index
      %get3A_225 = vector.load %arg6[%get3A_223, %get3A_224] : memref<1536x768xf32, #tpu.memory_space<vmem>>, vector<768x768xf32>
      %get3A_226 = arith.constant 2 : index
      %get3A_227 = arith.constant 0 : index
      %get3A_228 = vector.load %arg5[%get3A_226, %get3A_227] : memref<7x768xf32, #tpu.memory_space<vmem>>, vector<1x768xf32>
      %get3A_229 = arith.constant 5 : index
      %get3A_230 = arith.constant 0 : index
      %get3A_231 = vector.load %arg5[%get3A_229, %get3A_230] : memref<7x768xf32, #tpu.memory_space<vmem>>, vector<1x768xf32>
      %concatenate3A = tpu.concatenate %get3A_228, %get3A_231 in 0 : vector<1x768xf32>, vector<1x768xf32> -> vector<2x768xf32>
      %dot_general3A_232 = arith.constant dense<0.000000e+00> : vector<2x768xf32>
      %dot_general3A_233 = tpu.matmul %concatenate3A, %get3A_225, %dot_general3A_232 {dimension_numbers = #tpu.dot_dimension_numbers<[1], [1], [0], [0], [0, 0, 1, 0], [], []>, transpose_lhs_hint = false} : vector<2x768xf32>, vector<768x768xf32>, vector<2x768xf32> -> vector<2x768xf32>
      %dot_general3A_234 = arith.constant dense<0.000000e+00> : vector<2x768xf32>
      %dot_general3A_235 = tpu.matmul %dot_general3A_233, %get3A_225, %dot_general3A_234 {dimension_numbers = #tpu.dot_dimension_numbers<[1], [1], [0], [0], [0, 0, 1, 0], [], []>, transpose_lhs_hint = false} : vector<2x768xf32>, vector<768x768xf32>, vector<2x768xf32> -> vector<2x768xf32>
      %concatenate3A_236 = tpu.concatenate %concatenate3A, %dot_general3A_233, %dot_general3A_235 in 0 : vector<2x768xf32>, vector<2x768xf32>, vector<2x768xf32> -> vector<6x768xf32>
      %get3A_237 = arith.constant 0 : index
      %get3A_238 = arith.constant 0 : index
      %get3A_239 = vector.load %arg5[%get3A_237, %get3A_238] : memref<7x768xf32, #tpu.memory_space<vmem>>, vector<1x768xf32>
      %swap3A_240 = arith.constant 0 : index
      %swap3A_241 = arith.constant 0 : index
      %swap3A_242 = vector.load %arg12[%swap3A_240, %swap3A_241] : memref<2x768xf32, #tpu.memory_space<vmem>>, vector<1x768xf32>
      tpu.vector_store %arg12[%swap3A_240, %swap3A_241], %get3A_239 {strides = array<i32>} : memref<2x768xf32, #tpu.memory_space<vmem>>, vector<1x768xf32>,
      %get3A_243 = arith.constant 3 : index
      %get3A_244 = arith.constant 0 : index
      %get3A_245 = vector.load %arg5[%get3A_243, %get3A_244] : memref<7x768xf32, #tpu.memory_space<vmem>>, vector<1x768xf32>
      %swap3A_246 = arith.constant 1 : index
      %swap3A_247 = arith.constant 0 : index
      %swap3A_248 = vector.load %arg12[%swap3A_246, %swap3A_247] : memref<2x768xf32, #tpu.memory_space<vmem>>, vector<1x768xf32>
      tpu.vector_store %arg12[%swap3A_246, %swap3A_247], %get3A_245 {strides = array<i32>} : memref<2x768xf32, #tpu.memory_space<vmem>>, vector<1x768xf32>,
      %get3A_249 = arith.constant 1 : index
      %get3A_250 = arith.constant 0 : index
      %get3A_251 = vector.load %arg5[%get3A_249, %get3A_250] : memref<7x768xf32, #tpu.memory_space<vmem>>, vector<1x768xf32>
      %swap3A_252 = arith.constant 0 : index
      %swap3A_253 = arith.constant 0 : index
      %swap3A_254 = vector.load %arg11[%swap3A_252, %swap3A_253] : memref<7x768xf32, #tpu.memory_space<vmem>>, vector<1x768xf32>
      tpu.vector_store %arg11[%swap3A_252, %swap3A_253], %get3A_251 {strides = array<i32>} : memref<7x768xf32, #tpu.memory_space<vmem>>, vector<1x768xf32>,
      %get3A_255 = arith.constant 0 : index
      %get3A_256 = arith.constant 0 : index
      %get3A_257 = vector.load %arg6[%get3A_255, %get3A_256] : memref<1536x768xf32, #tpu.memory_space<vmem>>, vector<768x768xf32>
      %dot_general3A_258 = arith.constant dense<0.000000e+00> : vector<6x768xf32>
      %dot_general3A_259 = tpu.matmul %concatenate3A_236, %get3A_257, %dot_general3A_258 {dimension_numbers = #tpu.dot_dimension_numbers<[1], [1], [0], [0], [0, 0, 1, 0], [], []>, transpose_lhs_hint = false} : vector<6x768xf32>, vector<768x768xf32>, vector<6x768xf32> -> vector<6x768xf32>
      %swap3A_260 = arith.constant 1 : index
      %swap3A_261 = arith.constant 0 : index
      %swap3A_262 = vector.load %arg11[%swap3A_260, %swap3A_261] : memref<7x768xf32, #tpu.memory_space<vmem>>, vector<6x768xf32>
      tpu.vector_store %arg11[%swap3A_260, %swap3A_261], %dot_general3A_259 {strides = array<i32>} : memref<7x768xf32, #tpu.memory_space<vmem>>, vector<6x768xf32>,
      %get3A_263 = arith.constant 6 : index
      %get3A_264 = arith.constant 0 : index
      %get3A_265 = vector.load %arg5[%get3A_263, %get3A_264] : memref<7x768xf32, #tpu.memory_space<vmem>>, vector<1x768xf32>
      %dot_general3A_266 = arith.constant dense<0.000000e+00> : vector<1x6xf32>
      %dot_general3A_267 = tpu.matmul %get3A_265, %concatenate3A_236, %dot_general3A_266 {dimension_numbers = #tpu.dot_dimension_numbers<[1], [1], [0], [0], [0, 0, 1, 0], [], []>, transpose_lhs_hint = false} : vector<1x768xf32>, vector<6x768xf32>, vector<1x6xf32> -> vector<1x6xf32>
      %swap3A_268 = arith.constant 0 : index
      %swap3A_269 = arith.constant 0 : index
      %swap3A_270 = vector.load %arg10[%swap3A_268, %swap3A_269] : memref<1x16xf32, #tpu.memory_space<vmem>>, vector<1x6xf32>
      tpu.vector_store %arg10[%swap3A_268, %swap3A_269], %dot_general3A_267 {strides = array<i32>} : memref<1x16xf32, #tpu.memory_space<vmem>>, vector<1x6xf32>,
      %get3A_271 = arith.constant 0 : index
      %get3A_272 = arith.constant 0 : index
      %get3A_273 = vector.load %arg7[%get3A_271, %get3A_272] : memref<1x1xf32, #tpu.memory_space<vmem>>, vector<1x1xf32>
      %swap3A_274 = arith.constant 0 : index
      %swap3A_275 = arith.constant 6 : index
      %swap3A_276 = vector.load %arg10[%swap3A_274, %swap3A_275] : memref<1x16xf32, #tpu.memory_space<vmem>>, vector<1x1xf32>
      tpu.vector_store %arg10[%swap3A_274, %swap3A_275], %get3A_273 {strides = array<i32>} : memref<1x16xf32, #tpu.memory_space<vmem>>, vector<1x1xf32>,
      %get3A_277 = arith.constant 0 : index
      %get3A_278 = arith.constant 0 : index
      %get3A_279 = vector.load %arg8[%get3A_277, %get3A_278] : memref<1x1xf32, #tpu.memory_space<vmem>>, vector<1x1xf32>
      %swap3A_280 = arith.constant 0 : index
      %swap3A_281 = arith.constant 7 : index
      %swap3A_282 = vector.load %arg10[%swap3A_280, %swap3A_281] : memref<1x16xf32, #tpu.memory_space<vmem>>, vector<1x1xf32>
      tpu.vector_store %arg10[%swap3A_280, %swap3A_281], %get3A_279 {strides = array<i32>} : memref<1x16xf32, #tpu.memory_space<vmem>>, vector<1x1xf32>,
      %broadcast_in_dim3A = arith.constant 0.000000e+00 : f32
      %broadcast_in_dim3A_283 = vector.broadcast %broadcast_in_dim3A : f32 to vector<1x8xf32>
      %swap3A_284 = arith.constant 0 : index
      %swap3A_285 = arith.constant 8 : index
      %swap3A_286 = vector.load %arg10[%swap3A_284, %swap3A_285] : memref<1x16xf32, #tpu.memory_space<vmem>>, vector<1x8xf32>
      tpu.vector_store %arg10[%swap3A_284, %swap3A_285], %broadcast_in_dim3A_283 {strides = array<i32>} : memref<1x16xf32, #tpu.memory_space<vmem>>, vector<1x8xf32>,
    } else {
    }
    %get3A = arith.constant 0 : index
    %get3A_4 = arith.constant 0 : index
    %get3A_5 = vector.load %arg12[%get3A, %get3A_4] : memref<2x768xf32, #tpu.memory_space<vmem>>, vector<2x768xf32>
    %get3A_6 = arith.constant 0 : index
    %get3A_7 = arith.constant 0 : index
    %get3A_8 = arith.constant 0 : index
    %get3A_9 = arith.constant 0 : index
    %get3A_10 = vector.load %arg2[%get3A_6, %get3A_7, %get3A_8, %get3A_9] : memref<4x1x512x768xf32, #tpu.memory_space<vmem>>, vector<1x1x512x768xf32>
    %get3A_11 = vector.shape_cast %get3A_10 : vector<1x1x512x768xf32> to vector<512x768xf32>
    %dot_general3A = arith.constant dense<0.000000e+00> : vector<2x512xf32>
    %dot_general3A_12 = tpu.matmul %get3A_5, %get3A_11, %dot_general3A {dimension_numbers = #tpu.dot_dimension_numbers<[1], [1], [0], [0], [0, 0, 1, 0], [], []>, transpose_lhs_hint = false} : vector<2x768xf32>, vector<512x768xf32>, vector<2x512xf32> -> vector<2x512xf32>
    %slice3A = vector.extract_strided_slice %dot_general3A_12 {offsets = [0, 0], sizes = [2, 128], strides = [1, 1]} : vector<2x512xf32> to vector<2x128xf32>
    %swap3A = arith.constant 0 : index
    %swap3A_13 = arith.constant 0 : index
    %swap3A_14 = arith.constant 0 : index
    %swap3A_15 = vector.load %arg9[%swap3A, %swap3A_13, %swap3A_14] : memref<4x16x128xf32, #tpu.memory_space<vmem>>, vector<1x2x128xf32>
    %swap3A_16 = vector.shape_cast %swap3A_15 : vector<1x2x128xf32> to vector<2x128xf32>
    %swap3A_17 = vector.shape_cast %slice3A : vector<2x128xf32> to vector<1x2x128xf32>
    tpu.vector_store %arg9[%swap3A, %swap3A_13, %swap3A_14], %swap3A_17 {strides = array<i32>} : memref<4x16x128xf32, #tpu.memory_space<vmem>>, vector<1x2x128xf32>,
    %slice3A_18 = vector.extract_strided_slice %dot_general3A_12 {offsets = [0, 128], sizes = [2, 128], strides = [1, 1]} : vector<2x512xf32> to vector<2x128xf32>
    %swap3A_19 = arith.constant 1 : index
    %swap3A_20 = arith.constant 0 : index
    %swap3A_21 = arith.constant 0 : index
    %swap3A_22 = vector.load %arg9[%swap3A_19, %swap3A_20, %swap3A_21] : memref<4x16x128xf32, #tpu.memory_space<vmem>>, vector<1x2x128xf32>
    %swap3A_23 = vector.shape_cast %swap3A_22 : vector<1x2x128xf32> to vector<2x128xf32>
    %swap3A_24 = vector.shape_cast %slice3A_18 : vector<2x128xf32> to vector<1x2x128xf32>
    tpu.vector_store %arg9[%swap3A_19, %swap3A_20, %swap3A_21], %swap3A_24 {strides = array<i32>} : memref<4x16x128xf32, #tpu.memory_space<vmem>>, vector<1x2x128xf32>,
    %slice3A_25 = vector.extract_strided_slice %dot_general3A_12 {offsets = [0, 256], sizes = [2, 128], strides = [1, 1]} : vector<2x512xf32> to vector<2x128xf32>
    %swap3A_26 = arith.constant 2 : index
    %swap3A_27 = arith.constant 0 : index
    %swap3A_28 = arith.constant 0 : index
    %swap3A_29 = vector.load %arg9[%swap3A_26, %swap3A_27, %swap3A_28] : memref<4x16x128xf32, #tpu.memory_space<vmem>>, vector<1x2x128xf32>
    %swap3A_30 = vector.shape_cast %swap3A_29 : vector<1x2x128xf32> to vector<2x128xf32>
    %swap3A_31 = vector.shape_cast %slice3A_25 : vector<2x128xf32> to vector<1x2x128xf32>
    tpu.vector_store %arg9[%swap3A_26, %swap3A_27, %swap3A_28], %swap3A_31 {strides = array<i32>} : memref<4x16x128xf32, #tpu.memory_space<vmem>>, vector<1x2x128xf32>,
    %slice3A_32 = vector.extract_strided_slice %dot_general3A_12 {offsets = [0, 384], sizes = [2, 128], strides = [1, 1]} : vector<2x512xf32> to vector<2x128xf32>
    %swap3A_33 = arith.constant 3 : index
    %swap3A_34 = arith.constant 0 : index
    %swap3A_35 = arith.constant 0 : index
    %swap3A_36 = vector.load %arg9[%swap3A_33, %swap3A_34, %swap3A_35] : memref<4x16x128xf32, #tpu.memory_space<vmem>>, vector<1x2x128xf32>
    %swap3A_37 = vector.shape_cast %swap3A_36 : vector<1x2x128xf32> to vector<2x128xf32>
    %swap3A_38 = vector.shape_cast %slice3A_32 : vector<2x128xf32> to vector<1x2x128xf32>
    tpu.vector_store %arg9[%swap3A_33, %swap3A_34, %swap3A_35], %swap3A_38 {strides = array<i32>} : memref<4x16x128xf32, #tpu.memory_space<vmem>>, vector<1x2x128xf32>,
    %get3A_39 = arith.constant 1 : index
    %get3A_40 = arith.constant 0 : index
    %get3A_41 = arith.constant 0 : index
    %get3A_42 = arith.constant 0 : index
    %get3A_43 = vector.load %arg2[%get3A_39, %get3A_40, %get3A_41, %get3A_42] : memref<4x1x512x768xf32, #tpu.memory_space<vmem>>, vector<1x1x512x768xf32>
    %get3A_44 = vector.shape_cast %get3A_43 : vector<1x1x512x768xf32> to vector<512x768xf32>
    %dot_general3A_45 = arith.constant dense<0.000000e+00> : vector<2x512xf32>
    %dot_general3A_46 = tpu.matmul %get3A_5, %get3A_44, %dot_general3A_45 {dimension_numbers = #tpu.dot_dimension_numbers<[1], [1], [0], [0], [0, 0, 1, 0], [], []>, transpose_lhs_hint = false} : vector<2x768xf32>, vector<512x768xf32>, vector<2x512xf32> -> vector<2x512xf32>
    %slice3A_47 = vector.extract_strided_slice %dot_general3A_46 {offsets = [0, 0], sizes = [2, 128], strides = [1, 1]} : vector<2x512xf32> to vector<2x128xf32>
    %swap3A_48 = arith.constant 0 : index
    %swap3A_49 = arith.constant 2 : index
    %swap3A_50 = arith.constant 0 : index
    %swap3A_51 = vector.load %arg9[%swap3A_48, %swap3A_49, %swap3A_50] : memref<4x16x128xf32, #tpu.memory_space<vmem>>, vector<1x2x128xf32>
    %swap3A_52 = vector.shape_cast %swap3A_51 : vector<1x2x128xf32> to vector<2x128xf32>
    %swap3A_53 = vector.shape_cast %slice3A_47 : vector<2x128xf32> to vector<1x2x128xf32>
    tpu.vector_store %arg9[%swap3A_48, %swap3A_49, %swap3A_50], %swap3A_53 {strides = array<i32>} : memref<4x16x128xf32, #tpu.memory_space<vmem>>, vector<1x2x128xf32>,
    %slice3A_54 = vector.extract_strided_slice %dot_general3A_46 {offsets = [0, 128], sizes = [2, 128], strides = [1, 1]} : vector<2x512xf32> to vector<2x128xf32>
    %swap3A_55 = arith.constant 1 : index
    %swap3A_56 = arith.constant 2 : index
    %swap3A_57 = arith.constant 0 : index
    %swap3A_58 = vector.load %arg9[%swap3A_55, %swap3A_56, %swap3A_57] : memref<4x16x128xf32, #tpu.memory_space<vmem>>, vector<1x2x128xf32>
    %swap3A_59 = vector.shape_cast %swap3A_58 : vector<1x2x128xf32> to vector<2x128xf32>
    %swap3A_60 = vector.shape_cast %slice3A_54 : vector<2x128xf32> to vector<1x2x128xf32>
    tpu.vector_store %arg9[%swap3A_55, %swap3A_56, %swap3A_57], %swap3A_60 {strides = array<i32>} : memref<4x16x128xf32, #tpu.memory_space<vmem>>, vector<1x2x128xf32>,
    %slice3A_61 = vector.extract_strided_slice %dot_general3A_46 {offsets = [0, 256], sizes = [2, 128], strides = [1, 1]} : vector<2x512xf32> to vector<2x128xf32>
    %swap3A_62 = arith.constant 2 : index
    %swap3A_63 = arith.constant 2 : index
    %swap3A_64 = arith.constant 0 : index
    %swap3A_65 = vector.load %arg9[%swap3A_62, %swap3A_63, %swap3A_64] : memref<4x16x128xf32, #tpu.memory_space<vmem>>, vector<1x2x128xf32>
    %swap3A_66 = vector.shape_cast %swap3A_65 : vector<1x2x128xf32> to vector<2x128xf32>
    %swap3A_67 = vector.shape_cast %slice3A_61 : vector<2x128xf32> to vector<1x2x128xf32>
    tpu.vector_store %arg9[%swap3A_62, %swap3A_63, %swap3A_64], %swap3A_67 {strides = array<i32>} : memref<4x16x128xf32, #tpu.memory_space<vmem>>, vector<1x2x128xf32>,
    %slice3A_68 = vector.extract_strided_slice %dot_general3A_46 {offsets = [0, 384], sizes = [2, 128], strides = [1, 1]} : vector<2x512xf32> to vector<2x128xf32>
    %swap3A_69 = arith.constant 3 : index
    %swap3A_70 = arith.constant 2 : index
    %swap3A_71 = arith.constant 0 : index
    %swap3A_72 = vector.load %arg9[%swap3A_69, %swap3A_70, %swap3A_71] : memref<4x16x128xf32, #tpu.memory_space<vmem>>, vector<1x2x128xf32>
    %swap3A_73 = vector.shape_cast %swap3A_72 : vector<1x2x128xf32> to vector<2x128xf32>
    %swap3A_74 = vector.shape_cast %slice3A_68 : vector<2x128xf32> to vector<1x2x128xf32>
    tpu.vector_store %arg9[%swap3A_69, %swap3A_70, %swap3A_71], %swap3A_74 {strides = array<i32>} : memref<4x16x128xf32, #tpu.memory_space<vmem>>, vector<1x2x128xf32>,
    %get3A_75 = arith.constant 2 : index
    %get3A_76 = arith.constant 0 : index
    %get3A_77 = arith.constant 0 : index
    %get3A_78 = arith.constant 0 : index
    %get3A_79 = vector.load %arg2[%get3A_75, %get3A_76, %get3A_77, %get3A_78] : memref<4x1x512x768xf32, #tpu.memory_space<vmem>>, vector<1x1x512x768xf32>
    %get3A_80 = vector.shape_cast %get3A_79 : vector<1x1x512x768xf32> to vector<512x768xf32>
    %dot_general3A_81 = arith.constant dense<0.000000e+00> : vector<2x512xf32>
    %dot_general3A_82 = tpu.matmul %get3A_5, %get3A_80, %dot_general3A_81 {dimension_numbers = #tpu.dot_dimension_numbers<[1], [1], [0], [0], [0, 0, 1, 0], [], []>, transpose_lhs_hint = false} : vector<2x768xf32>, vector<512x768xf32>, vector<2x512xf32> -> vector<2x512xf32>
    %slice3A_83 = vector.extract_strided_slice %dot_general3A_82 {offsets = [0, 0], sizes = [2, 128], strides = [1, 1]} : vector<2x512xf32> to vector<2x128xf32>
    %swap3A_84 = arith.constant 0 : index
    %swap3A_85 = arith.constant 4 : index
    %swap3A_86 = arith.constant 0 : index
    %swap3A_87 = vector.load %arg9[%swap3A_84, %swap3A_85, %swap3A_86] : memref<4x16x128xf32, #tpu.memory_space<vmem>>, vector<1x2x128xf32>
    %swap3A_88 = vector.shape_cast %swap3A_87 : vector<1x2x128xf32> to vector<2x128xf32>
    %swap3A_89 = vector.shape_cast %slice3A_83 : vector<2x128xf32> to vector<1x2x128xf32>
    tpu.vector_store %arg9[%swap3A_84, %swap3A_85, %swap3A_86], %swap3A_89 {strides = array<i32>} : memref<4x16x128xf32, #tpu.memory_space<vmem>>, vector<1x2x128xf32>,
    %slice3A_90 = vector.extract_strided_slice %dot_general3A_82 {offsets = [0, 128], sizes = [2, 128], strides = [1, 1]} : vector<2x512xf32> to vector<2x128xf32>
    %swap3A_91 = arith.constant 1 : index
    %swap3A_92 = arith.constant 4 : index
    %swap3A_93 = arith.constant 0 : index
    %swap3A_94 = vector.load %arg9[%swap3A_91, %swap3A_92, %swap3A_93] : memref<4x16x128xf32, #tpu.memory_space<vmem>>, vector<1x2x128xf32>
    %swap3A_95 = vector.shape_cast %swap3A_94 : vector<1x2x128xf32> to vector<2x128xf32>
    %swap3A_96 = vector.shape_cast %slice3A_90 : vector<2x128xf32> to vector<1x2x128xf32>
    tpu.vector_store %arg9[%swap3A_91, %swap3A_92, %swap3A_93], %swap3A_96 {strides = array<i32>} : memref<4x16x128xf32, #tpu.memory_space<vmem>>, vector<1x2x128xf32>,
    %slice3A_97 = vector.extract_strided_slice %dot_general3A_82 {offsets = [0, 256], sizes = [2, 128], strides = [1, 1]} : vector<2x512xf32> to vector<2x128xf32>
    %swap3A_98 = arith.constant 2 : index
    %swap3A_99 = arith.constant 4 : index
    %swap3A_100 = arith.constant 0 : index
    %swap3A_101 = vector.load %arg9[%swap3A_98, %swap3A_99, %swap3A_100] : memref<4x16x128xf32, #tpu.memory_space<vmem>>, vector<1x2x128xf32>
    %swap3A_102 = vector.shape_cast %swap3A_101 : vector<1x2x128xf32> to vector<2x128xf32>
    %swap3A_103 = vector.shape_cast %slice3A_97 : vector<2x128xf32> to vector<1x2x128xf32>
    tpu.vector_store %arg9[%swap3A_98, %swap3A_99, %swap3A_100], %swap3A_103 {strides = array<i32>} : memref<4x16x128xf32, #tpu.memory_space<vmem>>, vector<1x2x128xf32>,
    %slice3A_104 = vector.extract_strided_slice %dot_general3A_82 {offsets = [0, 384], sizes = [2, 128], strides = [1, 1]} : vector<2x512xf32> to vector<2x128xf32>
    %swap3A_105 = arith.constant 3 : index
    %swap3A_106 = arith.constant 4 : index
    %swap3A_107 = arith.constant 0 : index
    %swap3A_108 = vector.load %arg9[%swap3A_105, %swap3A_106, %swap3A_107] : memref<4x16x128xf32, #tpu.memory_space<vmem>>, vector<1x2x128xf32>
    %swap3A_109 = vector.shape_cast %swap3A_108 : vector<1x2x128xf32> to vector<2x128xf32>
    %swap3A_110 = vector.shape_cast %slice3A_104 : vector<2x128xf32> to vector<1x2x128xf32>
    tpu.vector_store %arg9[%swap3A_105, %swap3A_106, %swap3A_107], %swap3A_110 {strides = array<i32>} : memref<4x16x128xf32, #tpu.memory_space<vmem>>, vector<1x2x128xf32>,
    %get3A_111 = arith.constant 3 : index
    %get3A_112 = arith.constant 0 : index
    %get3A_113 = arith.constant 0 : index
    %get3A_114 = arith.constant 0 : index
    %get3A_115 = vector.load %arg2[%get3A_111, %get3A_112, %get3A_113, %get3A_114] : memref<4x1x512x768xf32, #tpu.memory_space<vmem>>, vector<1x1x512x768xf32>
    %get3A_116 = vector.shape_cast %get3A_115 : vector<1x1x512x768xf32> to vector<512x768xf32>
    %dot_general3A_117 = arith.constant dense<0.000000e+00> : vector<2x512xf32>
    %dot_general3A_118 = tpu.matmul %get3A_5, %get3A_116, %dot_general3A_117 {dimension_numbers = #tpu.dot_dimension_numbers<[1], [1], [0], [0], [0, 0, 1, 0], [], []>, transpose_lhs_hint = false} : vector<2x768xf32>, vector<512x768xf32>, vector<2x512xf32> -> vector<2x512xf32>
    %slice3A_119 = vector.extract_strided_slice %dot_general3A_118 {offsets = [0, 0], sizes = [2, 128], strides = [1, 1]} : vector<2x512xf32> to vector<2x128xf32>
    %swap3A_120 = arith.constant 0 : index
    %swap3A_121 = arith.constant 6 : index
    %swap3A_122 = arith.constant 0 : index
    %swap3A_123 = vector.load %arg9[%swap3A_120, %swap3A_121, %swap3A_122] : memref<4x16x128xf32, #tpu.memory_space<vmem>>, vector<1x2x128xf32>
    %swap3A_124 = vector.shape_cast %swap3A_123 : vector<1x2x128xf32> to vector<2x128xf32>
    %swap3A_125 = vector.shape_cast %slice3A_119 : vector<2x128xf32> to vector<1x2x128xf32>
    tpu.vector_store %arg9[%swap3A_120, %swap3A_121, %swap3A_122], %swap3A_125 {strides = array<i32>} : memref<4x16x128xf32, #tpu.memory_space<vmem>>, vector<1x2x128xf32>,
    %slice3A_126 = vector.extract_strided_slice %dot_general3A_118 {offsets = [0, 128], sizes = [2, 128], strides = [1, 1]} : vector<2x512xf32> to vector<2x128xf32>
    %swap3A_127 = arith.constant 1 : index
    %swap3A_128 = arith.constant 6 : index
    %swap3A_129 = arith.constant 0 : index
    %swap3A_130 = vector.load %arg9[%swap3A_127, %swap3A_128, %swap3A_129] : memref<4x16x128xf32, #tpu.memory_space<vmem>>, vector<1x2x128xf32>
    %swap3A_131 = vector.shape_cast %swap3A_130 : vector<1x2x128xf32> to vector<2x128xf32>
    %swap3A_132 = vector.shape_cast %slice3A_126 : vector<2x128xf32> to vector<1x2x128xf32>
    tpu.vector_store %arg9[%swap3A_127, %swap3A_128, %swap3A_129], %swap3A_132 {strides = array<i32>} : memref<4x16x128xf32, #tpu.memory_space<vmem>>, vector<1x2x128xf32>,
    %slice3A_133 = vector.extract_strided_slice %dot_general3A_118 {offsets = [0, 256], sizes = [2, 128], strides = [1, 1]} : vector<2x512xf32> to vector<2x128xf32>
    %swap3A_134 = arith.constant 2 : index
    %swap3A_135 = arith.constant 6 : index
    %swap3A_136 = arith.constant 0 : index
    %swap3A_137 = vector.load %arg9[%swap3A_134, %swap3A_135, %swap3A_136] : memref<4x16x128xf32, #tpu.memory_space<vmem>>, vector<1x2x128xf32>
    %swap3A_138 = vector.shape_cast %swap3A_137 : vector<1x2x128xf32> to vector<2x128xf32>
    %swap3A_139 = vector.shape_cast %slice3A_133 : vector<2x128xf32> to vector<1x2x128xf32>
    tpu.vector_store %arg9[%swap3A_134, %swap3A_135, %swap3A_136], %swap3A_139 {strides = array<i32>} : memref<4x16x128xf32, #tpu.memory_space<vmem>>, vector<1x2x128xf32>,
    %slice3A_140 = vector.extract_strided_slice %dot_general3A_118 {offsets = [0, 384], sizes = [2, 128], strides = [1, 1]} : vector<2x512xf32> to vector<2x128xf32>
    %swap3A_141 = arith.constant 3 : index
    %swap3A_142 = arith.constant 6 : index
    %swap3A_143 = arith.constant 0 : index
    %swap3A_144 = vector.load %arg9[%swap3A_141, %swap3A_142, %swap3A_143] : memref<4x16x128xf32, #tpu.memory_space<vmem>>, vector<1x2x128xf32>
    %swap3A_145 = vector.shape_cast %swap3A_144 : vector<1x2x128xf32> to vector<2x128xf32>
    %swap3A_146 = vector.shape_cast %slice3A_140 : vector<2x128xf32> to vector<1x2x128xf32>
    tpu.vector_store %arg9[%swap3A_141, %swap3A_142, %swap3A_143], %swap3A_146 {strides = array<i32>} : memref<4x16x128xf32, #tpu.memory_space<vmem>>, vector<1x2x128xf32>,
    %get3A_147 = arith.constant 0 : index
    %get3A_148 = arith.constant 0 : index
    %get3A_149 = vector.load %arg11[%get3A_147, %get3A_148] : memref<7x768xf32, #tpu.memory_space<vmem>>, vector<7x768xf32>
    %get3A_150 = arith.constant 0 : index
    %get3A_151 = arith.constant 0 : index
    %get3A_152 = arith.constant 0 : index
    %get3A_153 = vector.load %arg3[%get3A_150, %get3A_151, %get3A_152] : memref<1x512x768xf32, #tpu.memory_space<vmem>>, vector<1x512x768xf32>
    %get3A_154 = vector.shape_cast %get3A_153 : vector<1x512x768xf32> to vector<512x768xf32>
    %dot_general3A_155 = arith.constant dense<0.000000e+00> : vector<7x512xf32>
    %dot_general3A_156 = tpu.matmul %get3A_149, %get3A_154, %dot_general3A_155 {dimension_numbers = #tpu.dot_dimension_numbers<[1], [1], [0], [0], [0, 0, 1, 0], [], []>, transpose_lhs_hint = false} : vector<7x768xf32>, vector<512x768xf32>, vector<7x512xf32> -> vector<7x512xf32>
    %get3A_157 = arith.constant 4 : index
    %get3A_158 = arith.constant 0 : index
    %get3A_159 = vector.load %arg5[%get3A_157, %get3A_158] : memref<7x768xf32, #tpu.memory_space<vmem>>, vector<1x768xf32>
    %get3A_160 = arith.constant 0 : index
    %get3A_161 = arith.constant 0 : index
    %get3A_162 = arith.constant 0 : index
    %get3A_163 = vector.load %arg4[%get3A_160, %get3A_161, %get3A_162] : memref<1x512x768xf32, #tpu.memory_space<vmem>>, vector<1x512x768xf32>
    %get3A_164 = vector.shape_cast %get3A_163 : vector<1x512x768xf32> to vector<512x768xf32>
    %dot_general3A_165 = arith.constant dense<0.000000e+00> : vector<1x512xf32>
    %dot_general3A_166 = tpu.matmul %get3A_159, %get3A_164, %dot_general3A_165 {dimension_numbers = #tpu.dot_dimension_numbers<[1], [1], [0], [0], [0, 0, 1, 0], [], []>, transpose_lhs_hint = false} : vector<1x768xf32>, vector<512x768xf32>, vector<1x512xf32> -> vector<1x512xf32>
    %slice3A_167 = vector.extract_strided_slice %dot_general3A_156 {offsets = [0, 0], sizes = [7, 128], strides = [1, 1]} : vector<7x512xf32> to vector<7x128xf32>
    %swap3A_168 = arith.constant 0 : index
    %swap3A_169 = arith.constant 8 : index
    %swap3A_170 = arith.constant 0 : index
    %swap3A_171 = vector.load %arg9[%swap3A_168, %swap3A_169, %swap3A_170] : memref<4x16x128xf32, #tpu.memory_space<vmem>>, vector<1x7x128xf32>
    %swap3A_172 = vector.shape_cast %swap3A_171 : vector<1x7x128xf32> to vector<7x128xf32>
    %swap3A_173 = vector.shape_cast %slice3A_167 : vector<7x128xf32> to vector<1x7x128xf32>
    tpu.vector_store %arg9[%swap3A_168, %swap3A_169, %swap3A_170], %swap3A_173 {strides = array<i32>} : memref<4x16x128xf32, #tpu.memory_space<vmem>>, vector<1x7x128xf32>,
    %slice3A_174 = vector.extract_strided_slice %dot_general3A_166 {offsets = [0, 0], sizes = [1, 128], strides = [1, 1]} : vector<1x512xf32> to vector<1x128xf32>
    %swap3A_175 = arith.constant 0 : index
    %swap3A_176 = arith.constant 15 : index
    %swap3A_177 = arith.constant 0 : index
    %swap3A_178 = vector.load %arg9[%swap3A_175, %swap3A_176, %swap3A_177] : memref<4x16x128xf32, #tpu.memory_space<vmem>>, vector<1x1x128xf32>
    %swap3A_179 = vector.shape_cast %swap3A_178 : vector<1x1x128xf32> to vector<1x128xf32>
    %swap3A_180 = vector.shape_cast %slice3A_174 : vector<1x128xf32> to vector<1x1x128xf32>
    tpu.vector_store %arg9[%swap3A_175, %swap3A_176, %swap3A_177], %swap3A_180 {strides = array<i32>} : memref<4x16x128xf32, #tpu.memory_space<vmem>>, vector<1x1x128xf32>,
    %slice3A_181 = vector.extract_strided_slice %dot_general3A_156 {offsets = [0, 128], sizes = [7, 128], strides = [1, 1]} : vector<7x512xf32> to vector<7x128xf32>
    %swap3A_182 = arith.constant 1 : index
    %swap3A_183 = arith.constant 8 : index
    %swap3A_184 = arith.constant 0 : index
    %swap3A_185 = vector.load %arg9[%swap3A_182, %swap3A_183, %swap3A_184] : memref<4x16x128xf32, #tpu.memory_space<vmem>>, vector<1x7x128xf32>
    %swap3A_186 = vector.shape_cast %swap3A_185 : vector<1x7x128xf32> to vector<7x128xf32>
    %swap3A_187 = vector.shape_cast %slice3A_181 : vector<7x128xf32> to vector<1x7x128xf32>
    tpu.vector_store %arg9[%swap3A_182, %swap3A_183, %swap3A_184], %swap3A_187 {strides = array<i32>} : memref<4x16x128xf32, #tpu.memory_space<vmem>>, vector<1x7x128xf32>,
    %slice3A_188 = vector.extract_strided_slice %dot_general3A_166 {offsets = [0, 128], sizes = [1, 128], strides = [1, 1]} : vector<1x512xf32> to vector<1x128xf32>
    %swap3A_189 = arith.constant 1 : index
    %swap3A_190 = arith.constant 15 : index
    %swap3A_191 = arith.constant 0 : index
    %swap3A_192 = vector.load %arg9[%swap3A_189, %swap3A_190, %swap3A_191] : memref<4x16x128xf32, #tpu.memory_space<vmem>>, vector<1x1x128xf32>
    %swap3A_193 = vector.shape_cast %swap3A_192 : vector<1x1x128xf32> to vector<1x128xf32>
    %swap3A_194 = vector.shape_cast %slice3A_188 : vector<1x128xf32> to vector<1x1x128xf32>
    tpu.vector_store %arg9[%swap3A_189, %swap3A_190, %swap3A_191], %swap3A_194 {strides = array<i32>} : memref<4x16x128xf32, #tpu.memory_space<vmem>>, vector<1x1x128xf32>,
    %slice3A_195 = vector.extract_strided_slice %dot_general3A_156 {offsets = [0, 256], sizes = [7, 128], strides = [1, 1]} : vector<7x512xf32> to vector<7x128xf32>
    %swap3A_196 = arith.constant 2 : index
    %swap3A_197 = arith.constant 8 : index
    %swap3A_198 = arith.constant 0 : index
    %swap3A_199 = vector.load %arg9[%swap3A_196, %swap3A_197, %swap3A_198] : memref<4x16x128xf32, #tpu.memory_space<vmem>>, vector<1x7x128xf32>
    %swap3A_200 = vector.shape_cast %swap3A_199 : vector<1x7x128xf32> to vector<7x128xf32>
    %swap3A_201 = vector.shape_cast %slice3A_195 : vector<7x128xf32> to vector<1x7x128xf32>
    tpu.vector_store %arg9[%swap3A_196, %swap3A_197, %swap3A_198], %swap3A_201 {strides = array<i32>} : memref<4x16x128xf32, #tpu.memory_space<vmem>>, vector<1x7x128xf32>,
    %slice3A_202 = vector.extract_strided_slice %dot_general3A_166 {offsets = [0, 256], sizes = [1, 128], strides = [1, 1]} : vector<1x512xf32> to vector<1x128xf32>
    %swap3A_203 = arith.constant 2 : index
    %swap3A_204 = arith.constant 15 : index
    %swap3A_205 = arith.constant 0 : index
    %swap3A_206 = vector.load %arg9[%swap3A_203, %swap3A_204, %swap3A_205] : memref<4x16x128xf32, #tpu.memory_space<vmem>>, vector<1x1x128xf32>
    %swap3A_207 = vector.shape_cast %swap3A_206 : vector<1x1x128xf32> to vector<1x128xf32>
    %swap3A_208 = vector.shape_cast %slice3A_202 : vector<1x128xf32> to vector<1x1x128xf32>
    tpu.vector_store %arg9[%swap3A_203, %swap3A_204, %swap3A_205], %swap3A_208 {strides = array<i32>} : memref<4x16x128xf32, #tpu.memory_space<vmem>>, vector<1x1x128xf32>,
    %slice3A_209 = vector.extract_strided_slice %dot_general3A_156 {offsets = [0, 384], sizes = [7, 128], strides = [1, 1]} : vector<7x512xf32> to vector<7x128xf32>
    %swap3A_210 = arith.constant 3 : index
    %swap3A_211 = arith.constant 8 : index
    %swap3A_212 = arith.constant 0 : index
    %swap3A_213 = vector.load %arg9[%swap3A_210, %swap3A_211, %swap3A_212] : memref<4x16x128xf32, #tpu.memory_space<vmem>>, vector<1x7x128xf32>
    %swap3A_214 = vector.shape_cast %swap3A_213 : vector<1x7x128xf32> to vector<7x128xf32>
    %swap3A_215 = vector.shape_cast %slice3A_209 : vector<7x128xf32> to vector<1x7x128xf32>
    tpu.vector_store %arg9[%swap3A_210, %swap3A_211, %swap3A_212], %swap3A_215 {strides = array<i32>} : memref<4x16x128xf32, #tpu.memory_space<vmem>>, vector<1x7x128xf32>,
    %slice3A_216 = vector.extract_strided_slice %dot_general3A_166 {offsets = [0, 384], sizes = [1, 128], strides = [1, 1]} : vector<1x512xf32> to vector<1x128xf32>
    %swap3A_217 = arith.constant 3 : index
    %swap3A_218 = arith.constant 15 : index
    %swap3A_219 = arith.constant 0 : index
    %swap3A_220 = vector.load %arg9[%swap3A_217, %swap3A_218, %swap3A_219] : memref<4x16x128xf32, #tpu.memory_space<vmem>>, vector<1x1x128xf32>
    %swap3A_221 = vector.shape_cast %swap3A_220 : vector<1x1x128xf32> to vector<1x128xf32>
    %swap3A_222 = vector.shape_cast %slice3A_216 : vector<1x128xf32> to vector<1x1x128xf32>
    tpu.vector_store %arg9[%swap3A_217, %swap3A_218, %swap3A_219], %swap3A_222 {strides = array<i32>} : memref<4x16x128xf32, #tpu.memory_space<vmem>>, vector<1x1x128xf32>,
    return
  }
  func.func @transform_0(%arg0: i32, %arg1: i32) -> (i32, i32, i32, i32) {
    %c0_i32 = arith.constant 0 : i32
    %c0_i32_0 = arith.constant 0 : i32
    %c0_i32_1 = arith.constant 0 : i32
    return %c0_i32, %arg0, %arg1, %c0_i32_0 : i32, i32, i32, i32
  }
  func.func @transform_1(%arg0: i32, %arg1: i32) -> (i32, i32, i32) {
    %c0_i32 = arith.constant 0 : i32
    %c0_i32_0 = arith.constant 0 : i32
    return %arg0, %arg1, %c0_i32 : i32, i32, i32
  }
  func.func @transform_2(%arg0: i32, %arg1: i32) -> (i32, i32, i32) {
    %c0_i32 = arith.constant 0 : i32
    %c0_i32_0 = arith.constant 0 : i32
    return %arg0, %arg1, %c0_i32 : i32, i32, i32
  }
  func.func @transform_3(%arg0: i32, %arg1: i32) -> (i32, i32) {
    %c0_i32 = arith.constant 0 : i32
    %c0_i32_0 = arith.constant 0 : i32
    %c0_i32_1 = arith.constant 0 : i32
    return %c0_i32, %c0_i32_0 : i32, i32
  }
  func.func @transform_4(%arg0: i32, %arg1: i32) -> (i32, i32) {
    %c0_i32 = arith.constant 0 : i32
    %c0_i32_0 = arith.constant 0 : i32
    %c0_i32_1 = arith.constant 0 : i32
    return %c0_i32, %c0_i32_0 : i32, i32
  }
  func.func @transform_5(%arg0: i32, %arg1: i32) -> (i32, i32) {
    %c0_i32 = arith.constant 0 : i32
    %c0_i32_0 = arith.constant 0 : i32
    %c0_i32_1 = arith.constant 0 : i32
    return %c0_i32, %c0_i32_0 : i32, i32
  }
  func.func @transform_6(%arg0: i32, %arg1: i32) -> (i32, i32) {
    %c0_i32 = arith.constant 0 : i32
    %c0_i32_0 = arith.constant 0 : i32
    %c0_i32_1 = arith.constant 0 : i32
    return %c0_i32, %c0_i32_0 : i32, i32
  }
  func.func @transform_7(%arg0: i32, %arg1: i32) -> (i32, i32, i32) {
    %mul3A = arith.constant 4 : i32
    %mul3A_0 = arith.muli %arg0, %mul3A : i32
    %add3A = arith.addi %mul3A_0, %arg1 : i32
    %c0_i32 = arith.constant 0 : i32
    %c0_i32_1 = arith.constant 0 : i32
    %c0_i32_2 = arith.constant 0 : i32
    return %add3A, %c0_i32, %c0_i32_1 : i32, i32, i32
  }
  func.func @transform_8(%arg0: i32, %arg1: i32) -> (i32, i32) {
    %c0_i32 = arith.constant 0 : i32
    %c0_i32_0 = arith.constant 0 : i32
    %c0_i32_1 = arith.constant 0 : i32
    return %c0_i32, %c0_i32_0 : i32, i32
  }
}

module attributes {stable_mosaic.version = 14 : i64} {
  func.func @_k3_body(%arg0: memref<4x2x2048xf32, #tpu.memory_space<vmem>>, %arg1: memref<4x2x2048xf32, #tpu.memory_space<vmem>>, %arg2: memref<2x2048xf32, #tpu.memory_space<vmem>>, %arg3: memref<1x1xf32, #tpu.memory_space<vmem>>) attributes {dimension_semantics = [], scalar_prefetch = 0 : i64, scratch_operands = 0 : i64, tpu.core_type = #tpu.core_type<tc>} {
    %get3A = arith.constant 0 : index
    %get3A_0 = arith.constant 0 : index
    %get3A_1 = arith.constant 0 : index
    %get3A_2 = vector.load %arg0[%get3A, %get3A_0, %get3A_1] : memref<4x2x2048xf32, #tpu.memory_space<vmem>>, vector<1x2x2048xf32>
    %get3A_3 = vector.shape_cast %get3A_2 : vector<1x2x2048xf32> to vector<2x2048xf32>
    %jit3A = arith.constant 1.000000e-07 : f32
    %jit3A_4 = arith.constant 0.99999988 : f32
    %max3A = vector.broadcast %jit3A : f32 to vector<2x2048xf32>
    %max3A_5 = arith.maximumf %max3A, %get3A_3 : vector<2x2048xf32>
    %min3A = vector.broadcast %jit3A_4 : f32 to vector<2x2048xf32>
    %min3A_6 = arith.minimumf %min3A, %max3A_5 : vector<2x2048xf32>
    %get3A_7 = arith.constant 0 : index
    %get3A_8 = arith.constant 0 : index
    %get3A_9 = arith.constant 0 : index
    %get3A_10 = vector.load %arg1[%get3A_7, %get3A_8, %get3A_9] : memref<4x2x2048xf32, #tpu.memory_space<vmem>>, vector<1x2x2048xf32>
    %get3A_11 = vector.shape_cast %get3A_10 : vector<1x2x2048xf32> to vector<2x2048xf32>
    %log3A = math.log %min3A_6 : vector<2x2048xf32>
    %mul3A = arith.mulf %get3A_11, %log3A : vector<2x2048xf32>
    %sub3A = arith.constant 1.000000e+00 : f32
    %sub3A_12 = vector.broadcast %sub3A : f32 to vector<2x2048xf32>
    %sub3A_13 = arith.subf %sub3A_12, %get3A_11 : vector<2x2048xf32>
    %neg3A = arith.constant 0.000000e+00 : f32
    %neg3A_14 = vector.broadcast %neg3A : f32 to vector<2x2048xf32>
    %neg3A_15 = arith.subf %neg3A_14, %min3A_6 : vector<2x2048xf32>
    %log1p3A = math.log1p %neg3A_15 : vector<2x2048xf32>
    %mul3A_16 = arith.mulf %sub3A_13, %log1p3A : vector<2x2048xf32>
    %add3A = arith.addf %mul3A, %mul3A_16 : vector<2x2048xf32>
    %reduce_sum3A = vector.shape_cast %add3A : vector<2x2048xf32> to vector<1x2x2048xf32>
    %reduce_sum3A_17 = arith.constant dense<0.000000e+00> : vector<1xf32>
    %reduce_sum3A_18 = vector.multi_reduction <add>, %reduce_sum3A, %reduce_sum3A_17 [1, 2] : vector<1x2x2048xf32> to vector<1xf32>
    %reduce_sum3A_19 = vector.shape_cast %reduce_sum3A_18 : vector<1xf32> to vector<1x1x1xf32>
    %reduce_sum3A_20 = vector.extract %reduce_sum3A_19[0, 0, 0] : f32 from vector<1x1x1xf32>
    %div3A = arith.constant 4.096000e+03 : f32
    %div3A_21 = arith.divf %reduce_sum3A_20, %div3A : f32
    %neg3A_22 = arith.constant 0.000000e+00 : f32
    %neg3A_23 = arith.subf %neg3A_22, %div3A_21 : f32
    %add3A_24 = arith.constant 0.000000e+00 : f32
    %add3A_25 = arith.addf %add3A_24, %neg3A_23 : f32
    %get3A_26 = arith.constant 1 : index
    %get3A_27 = arith.constant 0 : index
    %get3A_28 = arith.constant 0 : index
    %get3A_29 = vector.load %arg0[%get3A_26, %get3A_27, %get3A_28] : memref<4x2x2048xf32, #tpu.memory_space<vmem>>, vector<1x2x2048xf32>
    %get3A_30 = vector.shape_cast %get3A_29 : vector<1x2x2048xf32> to vector<2x2048xf32>
    %jit3A_31 = arith.constant 1.000000e-07 : f32
    %jit3A_32 = arith.constant 0.99999988 : f32
    %max3A_33 = vector.broadcast %jit3A_31 : f32 to vector<2x2048xf32>
    %max3A_34 = arith.maximumf %max3A_33, %get3A_30 : vector<2x2048xf32>
    %min3A_35 = vector.broadcast %jit3A_32 : f32 to vector<2x2048xf32>
    %min3A_36 = arith.minimumf %min3A_35, %max3A_34 : vector<2x2048xf32>
    %get3A_37 = arith.constant 1 : index
    %get3A_38 = arith.constant 0 : index
    %get3A_39 = arith.constant 0 : index
    %get3A_40 = vector.load %arg1[%get3A_37, %get3A_38, %get3A_39] : memref<4x2x2048xf32, #tpu.memory_space<vmem>>, vector<1x2x2048xf32>
    %get3A_41 = vector.shape_cast %get3A_40 : vector<1x2x2048xf32> to vector<2x2048xf32>
    %log3A_42 = math.log %min3A_36 : vector<2x2048xf32>
    %mul3A_43 = arith.mulf %get3A_41, %log3A_42 : vector<2x2048xf32>
    %sub3A_44 = arith.constant 1.000000e+00 : f32
    %sub3A_45 = vector.broadcast %sub3A_44 : f32 to vector<2x2048xf32>
    %sub3A_46 = arith.subf %sub3A_45, %get3A_41 : vector<2x2048xf32>
    %neg3A_47 = arith.constant 0.000000e+00 : f32
    %neg3A_48 = vector.broadcast %neg3A_47 : f32 to vector<2x2048xf32>
    %neg3A_49 = arith.subf %neg3A_48, %min3A_36 : vector<2x2048xf32>
    %log1p3A_50 = math.log1p %neg3A_49 : vector<2x2048xf32>
    %mul3A_51 = arith.mulf %sub3A_46, %log1p3A_50 : vector<2x2048xf32>
    %add3A_52 = arith.addf %mul3A_43, %mul3A_51 : vector<2x2048xf32>
    %reduce_sum3A_53 = vector.shape_cast %add3A_52 : vector<2x2048xf32> to vector<1x2x2048xf32>
    %reduce_sum3A_54 = arith.constant dense<0.000000e+00> : vector<1xf32>
    %reduce_sum3A_55 = vector.multi_reduction <add>, %reduce_sum3A_53, %reduce_sum3A_54 [1, 2] : vector<1x2x2048xf32> to vector<1xf32>
    %reduce_sum3A_56 = vector.shape_cast %reduce_sum3A_55 : vector<1xf32> to vector<1x1x1xf32>
    %reduce_sum3A_57 = vector.extract %reduce_sum3A_56[0, 0, 0] : f32 from vector<1x1x1xf32>
    %div3A_58 = arith.constant 4.096000e+03 : f32
    %div3A_59 = arith.divf %reduce_sum3A_57, %div3A_58 : f32
    %neg3A_60 = arith.constant 0.000000e+00 : f32
    %neg3A_61 = arith.subf %neg3A_60, %div3A_59 : f32
    %add3A_62 = arith.addf %add3A_25, %neg3A_61 : f32
    %get3A_63 = arith.constant 2 : index
    %get3A_64 = arith.constant 0 : index
    %get3A_65 = arith.constant 0 : index
    %get3A_66 = vector.load %arg0[%get3A_63, %get3A_64, %get3A_65] : memref<4x2x2048xf32, #tpu.memory_space<vmem>>, vector<1x2x2048xf32>
    %get3A_67 = vector.shape_cast %get3A_66 : vector<1x2x2048xf32> to vector<2x2048xf32>
    %jit3A_68 = arith.constant 1.000000e-07 : f32
    %jit3A_69 = arith.constant 0.99999988 : f32
    %max3A_70 = vector.broadcast %jit3A_68 : f32 to vector<2x2048xf32>
    %max3A_71 = arith.maximumf %max3A_70, %get3A_67 : vector<2x2048xf32>
    %min3A_72 = vector.broadcast %jit3A_69 : f32 to vector<2x2048xf32>
    %min3A_73 = arith.minimumf %min3A_72, %max3A_71 : vector<2x2048xf32>
    %get3A_74 = arith.constant 2 : index
    %get3A_75 = arith.constant 0 : index
    %get3A_76 = arith.constant 0 : index
    %get3A_77 = vector.load %arg1[%get3A_74, %get3A_75, %get3A_76] : memref<4x2x2048xf32, #tpu.memory_space<vmem>>, vector<1x2x2048xf32>
    %get3A_78 = vector.shape_cast %get3A_77 : vector<1x2x2048xf32> to vector<2x2048xf32>
    %log3A_79 = math.log %min3A_73 : vector<2x2048xf32>
    %mul3A_80 = arith.mulf %get3A_78, %log3A_79 : vector<2x2048xf32>
    %sub3A_81 = arith.constant 1.000000e+00 : f32
    %sub3A_82 = vector.broadcast %sub3A_81 : f32 to vector<2x2048xf32>
    %sub3A_83 = arith.subf %sub3A_82, %get3A_78 : vector<2x2048xf32>
    %neg3A_84 = arith.constant 0.000000e+00 : f32
    %neg3A_85 = vector.broadcast %neg3A_84 : f32 to vector<2x2048xf32>
    %neg3A_86 = arith.subf %neg3A_85, %min3A_73 : vector<2x2048xf32>
    %log1p3A_87 = math.log1p %neg3A_86 : vector<2x2048xf32>
    %mul3A_88 = arith.mulf %sub3A_83, %log1p3A_87 : vector<2x2048xf32>
    %add3A_89 = arith.addf %mul3A_80, %mul3A_88 : vector<2x2048xf32>
    %reduce_sum3A_90 = vector.shape_cast %add3A_89 : vector<2x2048xf32> to vector<1x2x2048xf32>
    %reduce_sum3A_91 = arith.constant dense<0.000000e+00> : vector<1xf32>
    %reduce_sum3A_92 = vector.multi_reduction <add>, %reduce_sum3A_90, %reduce_sum3A_91 [1, 2] : vector<1x2x2048xf32> to vector<1xf32>
    %reduce_sum3A_93 = vector.shape_cast %reduce_sum3A_92 : vector<1xf32> to vector<1x1x1xf32>
    %reduce_sum3A_94 = vector.extract %reduce_sum3A_93[0, 0, 0] : f32 from vector<1x1x1xf32>
    %div3A_95 = arith.constant 4.096000e+03 : f32
    %div3A_96 = arith.divf %reduce_sum3A_94, %div3A_95 : f32
    %neg3A_97 = arith.constant 0.000000e+00 : f32
    %neg3A_98 = arith.subf %neg3A_97, %div3A_96 : f32
    %add3A_99 = arith.addf %add3A_62, %neg3A_98 : f32
    %get3A_100 = arith.constant 3 : index
    %get3A_101 = arith.constant 0 : index
    %get3A_102 = arith.constant 0 : index
    %get3A_103 = vector.load %arg0[%get3A_100, %get3A_101, %get3A_102] : memref<4x2x2048xf32, #tpu.memory_space<vmem>>, vector<1x2x2048xf32>
    %get3A_104 = vector.shape_cast %get3A_103 : vector<1x2x2048xf32> to vector<2x2048xf32>
    %jit3A_105 = arith.constant 1.000000e-07 : f32
    %jit3A_106 = arith.constant 0.99999988 : f32
    %max3A_107 = vector.broadcast %jit3A_105 : f32 to vector<2x2048xf32>
    %max3A_108 = arith.maximumf %max3A_107, %get3A_104 : vector<2x2048xf32>
    %min3A_109 = vector.broadcast %jit3A_106 : f32 to vector<2x2048xf32>
    %min3A_110 = arith.minimumf %min3A_109, %max3A_108 : vector<2x2048xf32>
    %get3A_111 = arith.constant 3 : index
    %get3A_112 = arith.constant 0 : index
    %get3A_113 = arith.constant 0 : index
    %get3A_114 = vector.load %arg1[%get3A_111, %get3A_112, %get3A_113] : memref<4x2x2048xf32, #tpu.memory_space<vmem>>, vector<1x2x2048xf32>
    %get3A_115 = vector.shape_cast %get3A_114 : vector<1x2x2048xf32> to vector<2x2048xf32>
    %log3A_116 = math.log %min3A_110 : vector<2x2048xf32>
    %mul3A_117 = arith.mulf %get3A_115, %log3A_116 : vector<2x2048xf32>
    %sub3A_118 = arith.constant 1.000000e+00 : f32
    %sub3A_119 = vector.broadcast %sub3A_118 : f32 to vector<2x2048xf32>
    %sub3A_120 = arith.subf %sub3A_119, %get3A_115 : vector<2x2048xf32>
    %neg3A_121 = arith.constant 0.000000e+00 : f32
    %neg3A_122 = vector.broadcast %neg3A_121 : f32 to vector<2x2048xf32>
    %neg3A_123 = arith.subf %neg3A_122, %min3A_110 : vector<2x2048xf32>
    %log1p3A_124 = math.log1p %neg3A_123 : vector<2x2048xf32>
    %mul3A_125 = arith.mulf %sub3A_120, %log1p3A_124 : vector<2x2048xf32>
    %add3A_126 = arith.addf %mul3A_117, %mul3A_125 : vector<2x2048xf32>
    %reduce_sum3A_127 = vector.shape_cast %add3A_126 : vector<2x2048xf32> to vector<1x2x2048xf32>
    %reduce_sum3A_128 = arith.constant dense<0.000000e+00> : vector<1xf32>
    %reduce_sum3A_129 = vector.multi_reduction <add>, %reduce_sum3A_127, %reduce_sum3A_128 [1, 2] : vector<1x2x2048xf32> to vector<1xf32>
    %reduce_sum3A_130 = vector.shape_cast %reduce_sum3A_129 : vector<1xf32> to vector<1x1x1xf32>
    %reduce_sum3A_131 = vector.extract %reduce_sum3A_130[0, 0, 0] : f32 from vector<1x1x1xf32>
    %div3A_132 = arith.constant 4.096000e+03 : f32
    %div3A_133 = arith.divf %reduce_sum3A_131, %div3A_132 : f32
    %neg3A_134 = arith.constant 0.000000e+00 : f32
    %neg3A_135 = arith.subf %neg3A_134, %div3A_133 : f32
    %add3A_136 = arith.addf %add3A_99, %neg3A_135 : f32
    %get3A_137 = arith.constant 0 : index
    %get3A_138 = arith.constant 0 : index
    %get3A_139 = vector.load %arg2[%get3A_137, %get3A_138] : memref<2x2048xf32, #tpu.memory_space<vmem>>, vector<2x2048xf32>
    %reduce_sum3A_140 = vector.shape_cast %get3A_139 : vector<2x2048xf32> to vector<1x2x2048xf32>
    %reduce_sum3A_141 = arith.constant dense<0.000000e+00> : vector<1xf32>
    %reduce_sum3A_142 = vector.multi_reduction <add>, %reduce_sum3A_140, %reduce_sum3A_141 [1, 2] : vector<1x2x2048xf32> to vector<1xf32>
    %reduce_sum3A_143 = vector.shape_cast %reduce_sum3A_142 : vector<1xf32> to vector<1x1x1xf32>
    %reduce_sum3A_144 = vector.extract %reduce_sum3A_143[0, 0, 0] : f32 from vector<1x1x1xf32>
    %mul3A_145 = arith.mulf %add3A_136, %reduce_sum3A_144 : f32
    %reshape3A = vector.broadcast %mul3A_145 : f32 to vector<1x1xf32>
    %swap3A = arith.constant 0 : index
    %swap3A_146 = arith.constant 0 : index
    %swap3A_147 = vector.load %arg3[%swap3A, %swap3A_146] : memref<1x1xf32, #tpu.memory_space<vmem>>, vector<1x1xf32>
    tpu.vector_store %arg3[%swap3A, %swap3A_146], %reshape3A {strides = array<i32>} : memref<1x1xf32, #tpu.memory_space<vmem>>, vector<1x1xf32>,
    return
  }
}

</mosaic_0001>

<sc_bundles>
// kernel: kernel.5.cloned.1.call-start
scs
__scs_entry_jumppad:
0x0: {  	(pc) =	sbr.rel $0x88, $3  }
0x1: {  	(tag) =	ssettag $0x0;
	lr =	simm.s32 $0x1  }
0x2: {  	[smem:$0x3F95] =	sst lr;
	_ =	strace $0xD0000000  }
0x3: {  	_ = 	snop  }
0x4: {  	_ = 	snop  }
0x5: {  	_ = 	snop  }
0x6: {  	_ = 	snop  }
0x7: {  	_ = 	snop  }
__scs_overlays_trampoline_lowered:
0x8: {  	[smem:$0x3FA4] =	sst s0  }
0x9: {  	[smem:$0x3FA5] =	sst s1  }
0xa: {  	[smem:$0x3FA6] =	sst s2  }
0xb: {  	[smem:$0x3FA7] =	sst s3  }
0xc: {  	[smem:$0x3FA8] =	sst s4  }
0xd: {  	[smem:$0x3FA9] =	sst s5  }
0xe: {  	[smem:$0x3FAA] =	sst s6  }
0xf: {  	[smem:$0x3FAB] =	sst s7  }
0x10: {  	[smem:$0x3FAC] =	sst s8  }
0x11: {  	[smem:$0x3FAD] =	sst s9;
	s0 =	simm.s32 @!p0 $0x0  }
0x12: {  	s1 =	sld [smem:$0x3F93];
	s0 =	simm.s32 @p0 $0x1  }
0x13: {  	[smem:$0x3FAE] =	sst s0;
	s0 =	simm.s32 @!p1 $0x0  }
0x14: {  	s2 =	sld [smem:$0x3F92];
	s0 =	simm.s32 @p1 $0x1  }
0x15: {  	[smem:$0x3FAF] =	sst s0;
	s0 =	simm.s32 @!p2 $0x0  }
0x16: {  	s3 =	sld [smem:$0x3FDB];
	s0 =	simm.s32 @p2 $0x1  }
0x17: {  	s4 =	simm.s32 $0x1BF5;
	[smem:$0x3FB1] =	sst s0  }
0x18: {  	s0 =	sld [smem:$0x3F94];
	_ =	swait.ge [sflag:s4], $0x0  }
0x19: {  	s7 =	sld [smem:$0x3F95]  }
0x1a: {  	s8 =	sadd.s32 $0xFFFFE003, lr  }
0x1b: {  	s9 =	sadd.s32 $0xFFFFFEF7, lr;
	s5 =	simm.s32 $0xFFFFFFFF;
	p2 =	slt.u32 s8, $0xFFFFF086  }
0x1c: {  	p1 =	slt.u32 s9, $0xF7A;
	s5 =	simm.s32 @!p2 $0x0  }
0x1d: {  	s5 =	simm.s32 @p1 $0x1;
	p0 =	seq.s32 s7, s2  }
0x1e: {  	s7 =	smul.u32 @!p0 $0xF7A, s2;
	p2 =	seq.s32 @!p0 s5, $0x0  }
0x1f: {  	s9 =	smul.u32 $0xF7A, s1;
	s8 =	simm.s32 @!p0 $0x1BF5;
	p2 =	por !p2, p0  }
0x20: {  	[sflag:s8] =	ssyncset.s32 @!p0 $0xFFFFF086;
	s6 =	sadd.s32 @!p0 s3, s7;
	s7 =	simm.s32 @!p0 $0x108  }
0x21: {  	s3 =	sadd.s32 s3, s9;
	s6 =	sadd.s32 @!p0 $0x88, s6;
	s7 =	simm.s32 @p2 $0x1082  }
0x22: {  	[simem:s7], [sflag:s8] =	dma.local @!p0 [hbm:s6], $0xF7A  }
0x23: {  	s9 =	sor.u32 $0xD0000000, s2;
	s6 =	simm.s32 $0x108;
	_ =	swait.ge @!p0 [sflag:s8], $0x0  }
0x24: {  	s3 =	sadd.s32 $0x88, s3;
	s6 =	simm.s32 @!p1 $0x1082;
	[sflag:s4] =	ssyncset.s32 $0xFFFFF086  }
0x25: {  	[simem:s6], [sflag:s4] =	dma.local [hbm:s3], $0xF7A  }
0x26: {  	[smem:$0x3F95] =	sst s1;
	(tag) =	ssettag s2;
	_ =	strace s9  }
0x27: {  	s1 =	sld [smem:$0x3FA5]  }
0x28: {  	s2 =	sld [smem:$0x3FA6]  }
0x29: {  	s4 =	sld [smem:$0x3FA8]  }
0x2a: {  	p0 =	seq.s32 s5, $0x0;
	s5 =	sld [smem:$0x3FA9]  }
0x2b: {  	s6 =	sld [smem:$0x3FAA]  }
0x2c: {  	s7 =	sld [smem:$0x3FAB]  }
0x2d: {  	s3 =	simm.s32 $0x108;
	s8 =	sld [smem:$0x3FAC]  }
0x2e: {  	s3 =	simm.s32 @!p0 $0x1082;
	s9 =	sld [smem:$0x3FAD]  }
0x2f: {  	lr =	sadd.s32 s0, s3;
	s0 =	sld [smem:$0x3FA4]  }
0x30: {  	s3 =	sld [smem:$0x3FA7]  }
0x31: {  	[smem:$0x3FB0] =	sst s10  }
0x32: {  	s10 =	sld [smem:$0x3FAE];
	_ =	sdelay $0x3  }
0x33: {  	p0 =	seq.s32 s10, $0x1;
	s10 =	sld [smem:$0x3FB0];
	_ =	sdelay $0x3  }
0x34: {  	[smem:$0x3FB0] =	sst s10  }
0x35: {  	s10 =	sld [smem:$0x3FAF];
	_ =	sdelay $0x3  }
0x36: {  	p1 =	seq.s32 s10, $0x1;
	s10 =	sld [smem:$0x3FB0];
	_ =	sdelay $0x3  }
0x37: {  	[smem:$0x3FB0] =	sst s10  }
0x38: {  	s10 =	sld [smem:$0x3FB1]  }
0x39: {  	_ = 	snop;
	(pc) =	sbr.ind lr, $3  }
0x3a: {  	_ = 	snop  }
0x3b: {  	_ = 	snop  }
0x3c: {  	p2 =	seq.s32 s10, $0x1;
	s10 =	sld [smem:$0x3FB0]  }
0x3d: {  	_ =	shalt  }
0x3e: {  	_ =	shalt  }
0x3f: {  	_ =	shalt  }
0x40: {  	_ =	shalt  }
0x41: {  	_ =	shalt  }
0x42: {  	_ =	shalt  }
0x43: {  	_ =	shalt  }
0x44: {  	_ =	shalt  }
0x45: {  	_ =	shalt  }
0x46: {  	_ =	shalt  }
0x47: {  	_ =	shalt  }
0x48: {  	_ =	shalt  }
0x49: {  	_ =	shalt  }
0x4a: {  	_ =	shalt  }
0x4b: {  	_ =	shalt  }
0x4c: {  	_ =	shalt  }
0x4d: {  	_ =	shalt  }
0x4e: {  	_ =	shalt  }
0x4f: {  	_ =	shalt  }
0x50: {  	_ =	shalt  }
0x51: {  	_ =	shalt  }
0x52: {  	_ =	shalt  }
0x53: {  	_ =	shalt  }
0x54: {  	_ =	shalt  }
0x55: {  	_ =	shalt  }
0x56: {  	_ =	shalt  }
0x57: {  	_ =	shalt  }
0x58: {  	_ =	shalt  }
0x59: {  	_ =	shalt  }
0x5a: {  	_ =	shalt  }
0x5b: {  	_ =	shalt  }
0x5c: {  	_ =	shalt  }
0x5d: {  	_ =	shalt  }
0x5e: {  	_ =	shalt  }
0x5f: {  	_ =	shalt  }
0x60: {  	_ =	shalt  }
0x61: {  	_ =	shalt  }
0x62: {  	_ =	shalt  }
0x63: {  	_ =	shalt  }
0x64: {  	_ =	shalt  }
0x65: {  	_ =	shalt  }
0x66: {  	_ =	shalt  }
0x67: {  	_ =	shalt  }
0x68: {  	_ =	shalt  }
0x69: {  	_ =	shalt  }
0x6a: {  	_ =	shalt  }
0x6b: {  	_ =	shalt  }
0x6c: {  	_ =	shalt  }
0x6d: {  	_ =	shalt  }
0x6e: {  	_ =	shalt  }
0x6f: {  	_ =	shalt  }
0x70: {  	_ =	shalt  }
0x71: {  	_ =	shalt  }
0x72: {  	_ =	shalt  }
0x73: {  	_ =	shalt  }
0x74: {  	_ =	shalt  }
0x75: {  	_ =	shalt  }
0x76: {  	_ =	shalt  }
0x77: {  	_ =	shalt  }
0x78: {  	_ =	shalt  }
0x79: {  	_ =	shalt  }
0x7a: {  	_ =	shalt  }
0x7b: {  	_ =	shalt  }
0x7c: {  	_ =	shalt  }
0x7d: {  	_ =	shalt  }
0x7e: {  	_ =	shalt  }
0x7f: {  	_ =	shalt  }
0x80: {  	_ =	shalt  }
0x81: {  	_ =	shalt  }
0x82: {  	_ =	shalt  }
0x83: {  	_ =	shalt  }
0x84: {  	_ =	shalt  }
0x85: {  	_ =	shalt  }
0x86: {  	_ =	shalt  }
0x87: {  	_ =	shalt  }
.Lfunc_end0:
.L_simem_size_0:
called_computation_lowered:
.L_overlay_start_0:
0x88: {  	s2 =	sld [smem:$0x3FD9]  }
0x89: {  	s3 =	sld [smem:$0x3FFE];
	_ =	sdelay $0x1  }
0x8a: {  	s1 =	srdreg.scid  }
0x8b: {  	s0 =	sand.u32 $0x1, s1  }
0x8c: {  	s14 =	sshll.u32 s0, $0xA;
	s2 =	sadd.s32 s3, s2  }
0x8d: {  	s2 =	sadd.s32 s2, s14  }
0x8e: {  	[smem:$0x3FBC] =	sst s2  }
0x8f: {  	_ = 	snop  }
0x90: {  	s2 =	sld [smem:$0x3FD0];
	_ =	sdelay $0x2  }
0x91: {  	s4 =	simm.s32 $0xA;
	s5 =	simm.s32 $0x10;
	s15 =	sld [smem:$0x3FC4]  }
0x92: {  	[smem:s5], [sflag:s4] =	dma.local [hbm:s2], $0x1  }
0x93: {  	_ =	swait.eq [sflag:s4], $0x1  }
0x94: {  	[sflag:s4] =	ssyncset.done $0x0  }
0x95: {  	s16 =	sld [smem:$0x10];
	[sflag:s4] =	ssyncadd.s32 $0xFFFFFFFF  }
0x96: {  	s17 =	sld [smem:$0x11];
	(tm) =	ssettm $0x1  }
0x97: {  	s18 =	sld [smem:$0x3FFB];
	_ =	sdelay $0x3  }
0x98: {  	_ =	strace s18  }
0x99: {  	s5 =	sld [smem:$0x3FFC];
	_ =	sdelay $0x3  }
0x9a: {  	_ =	strace s5  }
0x9b: {  	s5 =	sld [smem:$0x3FFD];
	_ =	sdelay $0x3  }
0x9c: {  	_ =	strace s5  }
0x9d: {  	_ =	strace $0x8FFFFFFF  }
0x9e: {  	s19 =	sld [smem:$0x3FDB];
	_ =	sdelay $0x1  }
0x9f: {  	s6 =	simm.s32 $_scs_section_size  }
0xa0: {  	s7 =	simm.s32 $_size__tile_overlayer_lowered;
	s8 =	simm.s32 $_tile_overlayer_lowered  }
0xa1: {  	s22 =	simm.s32 $0x1BFF;
	s21 =	sshll.u32 s8, $0x1;
	s5 =	sadd.s32 s6, s19  }
0xa2: {  	s9 =	simm.s32 $0x0;
	s20 =	sshll.u32 s7, $0x1;
	s7 =	sadd.s32 s21, s5  }
0xa3: {  	[timem:s9], [sflag:s22] =	dma.local [hbm:s7], s20  }
0xa4: {  	_ =	swait.ge [sflag:s22], s20  }
0xa5: {  	s6 =	ssub.s32 $0x0, s20;
	[sflag:s22] =	ssyncset.done $0x0  }
0xa6: {  	[sflag:s22] =	ssyncadd.s32 s6;
	_ =	sdelay $0x1  }
0xa7: {  	s23 =	simm.s32 $0x1B8B  }
0xa8: {  	_ =	swait.ge [sflag:s23], $0x1  }
0xa9: {  	[sflag:s23] =	ssyncset.done $0x0  }
0xaa: {  	s25 =	simm.s32 $0x1B8E;
	s24 =	sld [smem:$0x3FFE];
	[sflag:s23] =	ssyncadd.s32 $0xFFFFFFFF  }
0xab: {  	s26 =	simm.s32 $execute0_lowered;
	[smem:$0x3FD2] =	sst s25  }
0xac: {  	s7 =	sshll.u32 s26, $0x1;
	_ =	strace $0x80000046;
	[dreg:$0x1] =	wrdreg $0xFFFFFFFF  }
0xad: {  	s28 =	simm.s32 $_size_execute0_lowered;
	s5 =	sadd.s32 s5, s7;
	[dreg:$0x0] =	wrdreg $0x0  }
0xae: {  	s7 =	sshll.u32 s28, $0x1;
	[dreg:$0x2] =	wrdreg s5  }
0xaf: {  	[dreg:$0x3] =	wrdreg s7  }
0xb0: {  	[dreg:$0x4] =	wrdreg $0xC0  }
0xb1: {  	_ =	task [dreg:s9], $0x5FFFF  }
0xb2: {  	[dreg:$0x1] =	wrdreg $0xFFFFFFFF  }
0xb3: {  	[dreg:$0x0] =	wrdreg $0x60  }
0xb4: {  	[dreg:$0x2] =	wrdreg s24  }
0xb5: {  	[dreg:$0x3] =	wrdreg s15  }
0xb6: {  	[dreg:$0x4] =	wrdreg s16  }
0xb7: {  	[dreg:$0x5] =	wrdreg s17  }
0xb8: {  	[dreg:$0x6] =	wrdreg $0x14800  }
0xb9: {  	[dreg:$0x7] =	wrdreg $0x9  }
0xba: {  	_ =	task.clear_ibuf [dreg:s9], $0x8FFFF;
	_ =	strace $0x90000046  }
0xbb: {  	s29 =	simm.s32 $0x9;
	_ =	strace $0x80000048  }
0xbc: {  	_ =	swait.ge [sflag:s29], $0x1  }
0xbd: {  	[sflag:s29] =	ssyncadd.s32 $0xFFFFFFFF  }
0xbe: {  	_ =	strace $0x90000048  }
0xbf: {  	_ =	sfence  }
0xc0: {  	s30 =	sld [smem:$0x0];
	_ =	sdelay $0x2  }
0xc1: {  	s31 =	sshll.u32 s1, $0xD;
	s1 =	sshrl.u32 s1, $0x2  }
0xc2: {  	s3 =	sand.u32 $0x4000, s31;
	s1 =	sadd.s32 s1, s30  }
0xc3: {  	s0 =	sor.u32 s3, s0;
	s1 =	sshll.u32 s1, $0x11  }
0xc4: {  	s0 =	sor.u32 s1, s0  }
0xc5: {  	s0 =	sadd.s32 $0x8F2B, s0  }
0xc6: {  	[sflag:s0] =	ssyncadd.remote.s32 $0x1  }
0xc7: {  	_ =	sfence.sel $0xFFFF  }
0xc8: {  	[dreg:$0x0] =	wrdreg $0xFFFFFFFF;
	(pc) =	sbr.abs _section_cstart, $3  }
0xc9: {  	[dreg:$0x1] =	wrdreg $0xFFFFFFFF  }
0xca: {  	_ =	task.clear_ibuf [dreg:s9], $0x2FFFF;
	_ =	strace $0x9FFFFFFF  }
0xcb: {  	(tm) =	ssettm $0x7FFFFFFF  }
tec
execute0_lowered:
.L_overlay_start_1:
0x0: {  	(tag) =	ssettag $0x1  }
0x1: {  	s0 =	rddreg [dreg:$0x0]  }
0x2: {  	s2 =	rddreg [dreg:$0x1]  }
0x3: {  	s1 =	rddreg [dreg:$0x2]  }
0x4: {  	s10 =	rddreg [dreg:$0x3]  }
0x5: {  	s3 =	rddreg [dreg:$0x4]  }
0x6: {  	s4 =	simm.s32 $0x0;
	s11 =	stileid.u32;
	s5 =	srdreg.scid  }
0x7: {  	s17 =	simm.s32 $0x880;
	s18 =	simm.s32 $0x800;
	s19 =	simm.s32 $0x1  }
0x8: {  	s20 =	simm.s32 $0x980;
	s21 =	simm.s32 $0x2;
	s22 =	simm.s32 $0xC00  }
0x9: {  	s23 =	simm.s32 $0x1400;
	s24 =	simm.s32 $0xA00;
	s25 =	simm.s32 $0xA80  }
0xa: {  	s28 =	simm.s32 $0xB80;
	s29 =	simm.s32 $0x0;
	[smem:$0x7FF] =	sst s4  }
0xb: {  	s6 =	sshll.u32 s11, $0x8;
	s5 =	sand.u32 $0x1, s5;
	s30 =	sshll.u32 s11, $0x3  }
0xc: {  	s31 =	sshll.u32 s11, $0x7;
	s12 =	sadd.s32 $0x800, s3;
	_ =	strace $0x80000047  }
0xd: {  	s0 =	sadd.s32 s6, s0;
	s7 =	ssub.s32 $0x2, s5;
	s9 =	sshll.u32 s5, $0xC  }
0xe: {  	s5 =	sshll.u32 s5, $0x7;
	s8 =	sshrl.u32 s7, $0x1;
	s0 =	sadd.s32 s9, s0  }
0xf: {  	s6 =	sor.u32 s5, s6;
	s9 =	sand.u32 $0x70, s30;
	s16 =	ssub.s32 s7, s8  }
0x10: {  	s5 =	sadd.s32 $0xA00, s0;
	s26 =	sshrl.u32 s6, $0x3;
	s7 =	sand.u32 $0x8, s30  }
0x11: {  	v0 =	vimm.s32 $0x6;
	v1 =	vimm.s32 $0x7;
	v2 =	vimm.s32 $0x1;
	s8 =	sadd.s32 s31, s3;
	s6 =	sadd.s32 s2, s26;
	s10 =	sadd.s32 s10, s26  }
0x12: {  	v3 =	vimm.s32 $0x2;
	v4 =	vimm.s32 $0x3;
	v5 =	vimm.s32 $0x4;
	s11 =	sadd.s32 $0x800, s8;
	s16 =	smax.u32 s16, $0x1;
	s26 =	simm.s32 $0xB00  }
0x13: {  	v6 =	vimm.s32 $0x5;
	v7 =	vimm.f32 $-1.000000020e+30;
	v8 =	vimm.f32 $0.0e+00;
	s13 =	sadd.s32 $0x200, s10;
	s14 =	sadd.s32 $0x400, s10;
	s15 =	sadd.s32 $0x600, s10  }
.LBB2_1:
0x14: {  	[tilespmem:s17], [sflag:$0x1] =	stream.linear.gather [hbm4b:s1+s4], $0x80, $0x38;
	[tilespmem:$0x1580] =	vst v63  }
0x15: {  	_ = 	snop  }
0x16: {  	[tilespmem:s4], [sflag:$0x1] =	stream.linear.gather [hbm4b:s5+s4], $0x800, $0x38;
	[tilespmem:$0x1580] =	vst v63  }
0x17: {  	_ = 	snop  }
0x18: {  	[tilespmem:s18], [sflag:$0x1] =	stream.linear.gather [hbm4b:s6+s4], $0x80, $0x38;
	[tilespmem:$0x1580] =	vst v63  }
0x19: {  	_ =	swait.ge [sflag:s19], $0x80  }
0x1a: {  	[sflag:s19] =	ssyncset.done $0x0  }
0x1b: {  	[sflag:s19] =	ssyncadd.s32 $0xFFFFFF80  }
0x1c: {  	v9 =	vld.idx.msk [tilespmem:v0+s17+$0x0], $0xffff  }
0x1d: {  	v10 =	vld.idx.msk [tilespmem:v1+s17+$0x0], $0xffff;
	_ =	sdelay $0x3  }
0x1e: {  	[tilespmem:$0x900] =	vst v9  }
0x1f: {  	[tilespmem:$0x940] =	vst v10  }
0x20: {  	v11 =	vld.msk [tilespmem:s17+$0x0], $0xffff  }
0x21: {  	v12 =	vld.idx.msk [tilespmem:v2+s17+$0x0], $0xffff;
	_ =	sdelay $0x3  }
0x22: {  	v9 =	vadd.f32 v11, v9  }
0x23: {  	v10 =	vadd.f32 v12, v10  }
0x24: {  	[tilespmem:$0x910] =	vst v9  }
0x25: {  	[tilespmem:$0x950] =	vst v10  }
0x26: {  	v11 =	vld.idx.msk [tilespmem:v3+s17+$0x0], $0xffff  }
0x27: {  	v62 =	vld.idx.msk [tilespmem:v4+s17+$0x0], $0xffff;
	_ =	sdelay $0x3  }
0x28: {  	v9 =	vadd.f32 v11, v9  }
0x29: {  	v10 =	vadd.f32 v62, v10  }
0x2a: {  	[tilespmem:$0x920] =	vst v9  }
0x2b: {  	[tilespmem:$0x960] =	vst v10  }
0x2c: {  	v11 =	vld.idx.msk [tilespmem:v5+s17+$0x0], $0xffff  }
0x2d: {  	v63 =	vld.idx.msk [tilespmem:v6+s17+$0x0], $0xffff;
	_ =	sdelay $0x3  }
0x2e: {  	v9 =	vadd.f32 v11, v9  }
0x2f: {  	v10 =	vadd.f32 v63, v10  }
0x30: {  	[tilespmem:$0x930] =	vst v9  }
0x31: {  	[tilespmem:$0x970] =	vst v10  }
0x32: {  	_ =	swait.ge [sflag:s19], $0x800  }
0x33: {  	[sflag:s19] =	ssyncset.done $0x0  }
0x34: {  	[sflag:s19] =	ssyncadd.s32 $0xFFFFF800  }
0x35: {  	_ =	swait.ge [sflag:s19], $0x80  }
0x36: {  	[sflag:s19] =	ssyncset.done $0x0  }
0x37: {  	[sflag:s19] =	ssyncadd.s32 $0xFFFFFF80  }
0x38: {  	[tilespmem:$0x980] =	vst v7  }
0x39: {  	[tilespmem:$0x990] =	vst v7  }
0x3a: {  	[tilespmem:$0x9A0] =	vst v7  }
.Ltmp0:
0x3b: {  	[tilespmem:$0x9B0] =	vst v7;
	(pc) =	sbr.rel .LBB2_2-.Ltmp0, $4  }
0x3c: {  	[tilespmem:$0x9C0] =	vst v7  }
0x3d: {  	[tilespmem:$0x9D0] =	vst v7  }
0x3e: {  	[tilespmem:$0x9E0] =	vst v7  }
0x3f: {  	s0 =	simm.s32 $0x0;
	[tilespmem:$0x9F0] =	vst v7  }
.LBB2_5:
0x40: {  	s0 =	sadd.s32 $0x1, s0  }
0x41: {  	p0 =	sne.s32 s0, $0x8  }
.Ltmp1:
0x42: {  	_ = 	snop;
	(pc) =	sbr.rel @!p0 .LBB2_6-.Ltmp1, $1  }
0x43: {  	_ =	sdelay $0x3  }
.LBB2_2:
0x44: {  	s2 =	sshll.u32 s0, $0x4  }
0x45: {  	v9 =	vld [tilespmem:s2+$0x800];
	_ =	sdelay $0x2  }
0x46: {  	v10 =	vld [tilespmem:s2+$0x80]  }
0x47: {  	v11 =	vld [tilespmem:s2+$0x780];
	_ =	sdelay $0x1  }
0x48: {  	v12 =	vld [tilespmem:$0x940];
	_ =	sdelay $0x1  }
0x49: {  	v13 =	vld.idx.msk [tilespmem:v9+s20+$0x0], $0xffff  }
0x4a: {  	v10 =	vadd.f32 v11, v10;
	_ =	sdelay $0x1  }
0x4b: {  	v10 =	vadd.f32 v12, v10;
	_ =	sdelay $0x1  }
0x4c: {  	vm0 =	vgt.f32 v10, v13  }
0x4d: {  	v11 =	vsel vm0, $0x3F800000, v8  }
0x4e: {  	(xrf0) =	vmax.scan.msk.f32 $0xffff, v11;
	_ =	sdelay $0x5  }
0x4f: {  	v11, _, _ =	vpop (xrf0)  }
0x50: {  	(v2sf) =	vpush v11, $0xF;
	_ =	sdelay $0xe  }
0x51: {  	s31 =	spop (v2sf)  }
0x52: {  	p0 =	sgt.f32 s31, $0.0e+00  }
.Ltmp2:
0x53: {  	_ = 	snop;
	(pc) =	sbr.rel @!p0 .LBB2_5-.Ltmp2, $1  }
0x54: {  	_ =	sdelay $0x3  }
0x55: {  	v11 =	vadd.f32 $0.0e+00, v10  }
.LBB2_4:
0x56: {  	[tilespmem:v9+s20+$0x0] =	vst.idx.msk vm0, v11  }
0x57: {  	v12 =	vld.idx.msk [tilespmem:v9+s20+$0x0], $0xffff;
	_ =	sdelay $0x4  }
0x58: {  	vm1 =	vlt.f32 v12, v10  }
0x59: {  	vm0 =	vmand vm0, vm1  }
0x5a: {  	v63 =	vsel vm0, $0x3F800000, v8  }
0x5b: {  	(xrf0) =	vmax.scan.msk.f32 $0xffff, v63;
	_ =	sdelay $0x5  }
0x5c: {  	v12, _, _ =	vpop (xrf0)  }
0x5d: {  	(v2sf) =	vpush v12, $0xF;
	_ =	sdelay $0xe  }
0x5e: {  	s2 =	spop (v2sf)  }
0x5f: {  	p0 =	sgt.f32 s2, $0.0e+00  }
.Ltmp3:
0x60: {  	_ = 	snop;
	(pc) =	sbr.rel @p0 .LBB2_4-.Ltmp3, $1  }
0x61: {  	_ =	sdelay $0x3  }
.Ltmp4:
0x62: {  	_ = 	snop;
	(pc) =	sbr.rel .LBB2_5-.Ltmp4, $1  }
0x63: {  	_ =	sdelay $0x3  }
.LBB2_6:
0x64: {  	[spmem:s8] =	stream.linear.scatter [tilespmem:s20], [sflag:$0x2], $0x80, $0x38;
	[tilespmem:$0x1580] =	vst v63  }
0x65: {  	_ =	swait.ge [sflag:s21], $0x80  }
0x66: {  	[sflag:s21] =	ssyncset.done $0x0  }
0x67: {  	[sflag:s21] =	ssyncadd.s32 $0xFFFFFF80  }
0x68: {  	[bflag:$0x0] =	sbarrier.arrive $0xFFFF  }
0x69: {  	[tilespmem:s22], [sflag:$0x2] =	stream.linear.gather [spmem:s3], $0x800, $0x38;
	[tilespmem:$0x1580] =	vst v63  }
0x6a: {  	_ =	swait.ge [sflag:s21], $0x800  }
0x6b: {  	[sflag:s21] =	ssyncset.done $0x0  }
0x6c: {  	[sflag:s21] =	ssyncadd.s32 $0xFFFFF800  }
0x6d: {  	v9 =	vld [tilespmem:s9+$0xC00]  }
0x6e: {  	v10 =	vld [tilespmem:s9+$0xC80]  }
0x6f: {  	v11 =	vld [tilespmem:s9+$0xD00]  }
0x70: {  	v12 =	vld [tilespmem:s9+$0xD80]  }
0x71: {  	v13 =	vld [tilespmem:s9+$0xE00]  }
0x72: {  	v14 =	vld [tilespmem:s9+$0xE80]  }
0x73: {  	v9 =	vmax.f32 v9, v10;
	v10 =	vld [tilespmem:s9+$0xF00]  }
0x74: {  	v9 =	vmax.f32 v9, v11;
	v11 =	vld [tilespmem:s9+$0xF80]  }
0x75: {  	v57 =	vld [tilespmem:s9+$0x1000];
	v9 =	vmax.f32 v9, v12  }
0x76: {  	v58 =	vld [tilespmem:s9+$0x1080];
	v9 =	vmax.f32 v9, v13  }
0x77: {  	v59 =	vld [tilespmem:s9+$0x1100];
	v9 =	vmax.f32 v9, v14  }
0x78: {  	v9 =	vmax.f32 v9, v10;
	v10 =	vld [tilespmem:s9+$0x1180]  }
0x79: {  	v9 =	vmax.f32 v9, v11;
	v11 =	vld [tilespmem:s9+$0x1200]  }
0x7a: {  	v60 =	vld [tilespmem:s9+$0x1280];
	v9 =	vmax.f32 v9, v57  }
0x7b: {  	v61 =	vld [tilespmem:s9+$0x1300];
	v9 =	vmax.f32 v9, v58  }
0x7c: {  	v62 =	vld [tilespmem:s9+$0x1380];
	v9 =	vmax.f32 v9, v59  }
0x7d: {  	v9 =	vmax.f32 v9, v10  }
0x7e: {  	v9 =	vmax.f32 v9, v11  }
0x7f: {  	v9 =	vmax.f32 v9, v60  }
0x80: {  	v9 =	vmax.f32 v9, v61  }
0x81: {  	v9 =	vmax.f32 v9, v62  }
0x82: {  	s30 =	simm.s32 $0x0;
	[tilespmem:$0x1400] =	vst v9  }
0x83: {  	v10 =	vld [tilespmem:s30+$0x0]  }
0x84: {  	v11 =	vld [tilespmem:s30+$0x400]  }
0x85: {  	v9 =	vmov s7  }
0x86: {  	v63 =	vld [tilespmem:$0x900];
	_ =	sdelay $0x2  }
0x87: {  	v10 =	vadd.f32 v11, v10  }
0x88: {  	v11 =	vld.idx.msk [tilespmem:v9+s23+$0x0], $0xffff  }
0x89: {  	v10 =	vadd.f32 v63, v10;
	_ =	sdelay $0x1  }
0x8a: {  	v10 =	vadd.f32 $0.0e+00, v10;
	_ =	sdelay $0x1  }
0x8b: {  	v10 =	vmax.f32 v10, v11  }
0x8c: {  	v10 =	vsub.f32 $0.0e+00, v10;
	_ =	sdelay $0x1  }
0x8d: {  	v10 =	vmul.f32 $1.442695020e+00, v10;
	_ =	sdelay $0x1  }
0x8e: {  	(erf) = vpow2.f32 v10;
	_ =	sdelay $0x8  }
0x8f: {  	v10 =	vpop (erf)  }
0x90: {  	v10 =	vadd.f32 $1.000000000e+00, v10;
	_ =	sdelay $0x1  }
0x91: {  	(erf) = vrcp.f32 v10;
	_ =	sdelay $0x6  }
0x92: {  	s31 =	simm.s32 $0x10  }
0x93: {  	s2 =	simm.s32 $0x80;
	s0 =	sadd.s32 $0x1, s7;
	v10 =	vld [tilespmem:s31+$0x0]  }
.LBB2_7:
0x94: {  	p0 =	sne.s32 s2, $0x1C0;
	v11 =	vld [tilespmem:s31+$0x400];
	v12 =	vmov s0;
	v13 =	vpop (erf)  }
0x95: {  	[tilespmem:s30+$0xA00] =	vst v13;
	s30 =	smov.u32 s31  }
0x96: {  	v13 =	vld [tilespmem:$0x900];
	_ =	sdelay $0x2  }
0x97: {  	v10 =	vadd.f32 v11, v10;
	v11 =	vld.idx.msk [tilespmem:v12+s23+$0x0], $0xffff;
	_ =	sdelay $0x1  }
0x98: {  	v10 =	vadd.f32 v13, v10;
	_ =	sdelay $0x1  }
0x99: {  	v10 =	vadd.f32 $0.0e+00, v10;
	_ =	sdelay $0x1  }
0x9a: {  	v10 =	vmax.f32 v10, v11  }
0x9b: {  	v10 =	vsub.f32 $0.0e+00, v10;
	_ =	sdelay $0x1  }
0x9c: {  	v10 =	vmul.f32 $1.442695020e+00, v10;
	_ =	sdelay $0x1  }
0x9d: {  	(erf) = vpow2.f32 v10;
	_ =	sdelay $0x8  }
0x9e: {  	v10 =	vpop (erf)  }
0x9f: {  	v10 =	vadd.f32 $1.000000000e+00, v10;
	_ =	sdelay $0x1  }
0xa0: {  	(erf) = vrcp.f32 v10;
	_ =	sdelay $0x3  }
.Ltmp5:
0xa1: {  	(pc) =	sbr.rel @p0 .LBB2_7-.Ltmp5, $3  }
0xa2: {  	_ =	sdelay $0x1  }
0xa3: {  	s31 =	sshra.s32 s2, $0x2  }
0xa4: {  	s0 =	sadd.s32 $0x1, s0;
	s2 =	sadd.s32 $0x40, s2;
	v10 =	vld [tilespmem:s31+$0x0]  }
0xa5: {  	v11 =	vld [tilespmem:s31+$0x400];
	v12 =	vpop (erf)  }
0xa6: {  	v13 =	vmov s0;
	[tilespmem:s30+$0xA00] =	vst v12  }
0xa7: {  	v12 =	vld [tilespmem:$0x900];
	_ =	sdelay $0x2  }
0xa8: {  	v10 =	vadd.f32 v11, v10  }
0xa9: {  	v11 =	vld.idx.msk [tilespmem:v13+s23+$0x0], $0xffff  }
0xaa: {  	v10 =	vadd.f32 v12, v10;
	_ =	sdelay $0x1  }
0xab: {  	v10 =	vadd.f32 $0.0e+00, v10;
	_ =	sdelay $0x1  }
0xac: {  	v10 =	vmax.f32 v10, v11  }
0xad: {  	v10 =	vsub.f32 $0.0e+00, v10;
	_ =	sdelay $0x1  }
0xae: {  	v10 =	vmul.f32 $1.442695020e+00, v10;
	_ =	sdelay $0x1  }
0xaf: {  	(erf) = vpow2.f32 v10;
	_ =	sdelay $0x8  }
0xb0: {  	v10 =	vpop (erf)  }
0xb1: {  	v10 =	vadd.f32 $1.000000000e+00, v10;
	_ =	sdelay $0x1  }
0xb2: {  	(erf) = vrcp.f32 v10;
	_ =	sdelay $0x8  }
0xb3: {  	v10 =	vpop (erf)  }
0xb4: {  	[tilespmem:s31+$0xA00] =	vst v10  }
0xb5: {  	[tilespmem:$0x980] =	vst v7  }
0xb6: {  	[tilespmem:$0x990] =	vst v7  }
0xb7: {  	[tilespmem:$0x9A0] =	vst v7  }
.Ltmp6:
0xb8: {  	[tilespmem:$0x9B0] =	vst v7;
	(pc) =	sbr.rel .LBB2_9-.Ltmp6, $4  }
0xb9: {  	[tilespmem:$0x9C0] =	vst v7  }
0xba: {  	[tilespmem:$0x9D0] =	vst v7  }
0xbb: {  	[tilespmem:$0x9E0] =	vst v7  }
0xbc: {  	s0 =	simm.s32 $0x0;
	[tilespmem:$0x9F0] =	vst v7  }
.LBB2_11:
0xbd: {  	s0 =	sadd.s32 $0x1, s0  }
0xbe: {  	p0 =	sne.s32 s0, $0x8  }
.Ltmp7:
0xbf: {  	_ = 	snop;
	(pc) =	sbr.rel @!p0 .LBB2_12-.Ltmp7, $1  }
0xc0: {  	_ =	sdelay $0x3  }
.LBB2_9:
0xc1: {  	s2 =	sshll.u32 s0, $0x4  }
0xc2: {  	v11 =	vld [tilespmem:s2+$0xA00]  }
0xc3: {  	v12 =	vld [tilespmem:s2+$0x500]  }
0xc4: {  	v10 =	vld [tilespmem:s2+$0x800]  }
0xc5: {  	v13 =	vld [tilespmem:s2+$0x180]  }
0xc6: {  	v14 =	vld [tilespmem:s2+$0x780];
	_ =	sdelay $0x1  }
0xc7: {  	v15 =	vld [tilespmem:$0x950];
	_ =	sdelay $0x2  }
0xc8: {  	v11 =	vmul.f32 v12, v11;
	v61 =	vadd.f32 v14, v13  }
0xc9: {  	v62 =	vld.idx.msk [tilespmem:v10+s20+$0x0], $0xffff  }
0xca: {  	v12 =	vadd.f32 v15, v61;
	v11 =	vadd.f32 $0.0e+00, v11;
	_ =	sdelay $0x1  }
0xcb: {  	v11 =	vadd.f32 v12, v11;
	_ =	sdelay $0x1  }
0xcc: {  	vm0 =	vgt.f32 v11, v62  }
0xcd: {  	v63 =	vsel vm0, $0x3F800000, v8  }
0xce: {  	(xrf0) =	vmax.scan.msk.f32 $0xffff, v63;
	_ =	sdelay $0x5  }
0xcf: {  	v12, _, _ =	vpop (xrf0)  }
0xd0: {  	(v2sf) =	vpush v12, $0xF;
	_ =	sdelay $0xe  }
0xd1: {  	s31 =	spop (v2sf)  }
0xd2: {  	p0 =	sgt.f32 s31, $0.0e+00  }
.Ltmp8:
0xd3: {  	_ = 	snop;
	(pc) =	sbr.rel @!p0 .LBB2_11-.Ltmp8, $1  }
0xd4: {  	_ =	sdelay $0x3  }
.LBB2_10:
0xd5: {  	[tilespmem:v10+s20+$0x0] =	vst.idx.msk vm0, v11  }
0xd6: {  	v12 =	vld.idx.msk [tilespmem:v10+s20+$0x0], $0xffff;
	_ =	sdelay $0x4  }
0xd7: {  	vm1 =	vlt.f32 v12, v11  }
0xd8: {  	vm0 =	vmand vm0, vm1  }
0xd9: {  	v63 =	vsel vm0, $0x3F800000, v8  }
0xda: {  	(xrf0) =	vmax.scan.msk.f32 $0xffff, v63;
	_ =	sdelay $0x5  }
0xdb: {  	v12, _, _ =	vpop (xrf0)  }
0xdc: {  	(v2sf) =	vpush v12, $0xF;
	_ =	sdelay $0xe  }
0xdd: {  	s2 =	spop (v2sf)  }
0xde: {  	p0 =	sgt.f32 s2, $0.0e+00  }
.Ltmp9:
0xdf: {  	_ = 	snop;
	(pc) =	sbr.rel @p0 .LBB2_10-.Ltmp9, $1  }
0xe0: {  	_ =	sdelay $0x3  }
.Ltmp10:
0xe1: {  	_ = 	snop;
	(pc) =	sbr.rel .LBB2_11-.Ltmp10, $1  }
0xe2: {  	_ =	sdelay $0x3  }
.LBB2_12:
0xe3: {  	[spmem:s11] =	stream.linear.scatter [tilespmem:s20], [sflag:$0x2], $0x80, $0x38;
	[tilespmem:$0x1580] =	vst v63  }
0xe4: {  	_ =	swait.ge [sflag:s21], $0x80  }
0xe5: {  	[sflag:s21] =	ssyncset.done $0x0  }
0xe6: {  	[sflag:s21] =	ssyncadd.s32 $0xFFFFFF80  }
0xe7: {  	[bflag:$0x0] =	sbarrier.arrive $0xFFFF  }
0xe8: {  	[tilespmem:s22], [sflag:$0x2] =	stream.linear.gather [spmem:s12], $0x800, $0x38;
	[tilespmem:$0x1580] =	vst v63  }
0xe9: {  	_ =	swait.ge [sflag:s21], $0x800  }
0xea: {  	[sflag:s21] =	ssyncset.done $0x0  }
0xeb: {  	[sflag:s21] =	ssyncadd.s32 $0xFFFFF800  }
0xec: {  	v10 =	vld [tilespmem:s9+$0xC00]  }
0xed: {  	v11 =	vld [tilespmem:s9+$0xC80]  }
0xee: {  	v12 =	vld [tilespmem:s9+$0xD00]  }
0xef: {  	v13 =	vld [tilespmem:s9+$0xD80]  }
0xf0: {  	v14 =	vld [tilespmem:s9+$0xE00]  }
0xf1: {  	v15 =	vld [tilespmem:s9+$0xE80]  }
0xf2: {  	v10 =	vmax.f32 v10, v11;
	v11 =	vld [tilespmem:s9+$0xF00]  }
0xf3: {  	v10 =	vmax.f32 v10, v12;
	v12 =	vld [tilespmem:s9+$0xF80]  }
0xf4: {  	v10 =	vmax.f32 v10, v13;
	v13 =	vld [tilespmem:s9+$0x1000]  }
0xf5: {  	v10 =	vmax.f32 v10, v14;
	v14 =	vld [tilespmem:s9+$0x1080]  }
0xf6: {  	v10 =	vmax.f32 v10, v15;
	v15 =	vld [tilespmem:s9+$0x1100]  }
0xf7: {  	v10 =	vmax.f32 v10, v11;
	v11 =	vld [tilespmem:s9+$0x1180]  }
0xf8: {  	v10 =	vmax.f32 v10, v12;
	v12 =	vld [tilespmem:s9+$0x1200]  }
0xf9: {  	v10 =	vmax.f32 v10, v13;
	v13 =	vld [tilespmem:s9+$0x1280]  }
0xfa: {  	v10 =	vmax.f32 v10, v14;
	v14 =	vld [tilespmem:s9+$0x1300]  }
0xfb: {  	v10 =	vmax.f32 v10, v15;
	v15 =	vld [tilespmem:s9+$0x1380]  }
0xfc: {  	v10 =	vmax.f32 v10, v11  }
0xfd: {  	v10 =	vmax.f32 v10, v12  }
0xfe: {  	v10 =	vmax.f32 v10, v13  }
0xff: {  	v10 =	vmax.f32 v10, v14  }
0x100: {  	v10 =	vmax.f32 v10, v15  }
0x101: {  	s30 =	simm.s32 $0x0;
	[tilespmem:$0x1400] =	vst v10  }
0x102: {  	v10 =	vld [tilespmem:s30+$0xA00]  }
0x103: {  	v11 =	vld [tilespmem:s30+$0x480]  }
0x104: {  	v12 =	vld [tilespmem:s30+$0x100]  }
0x105: {  	v13 =	vld [tilespmem:s30+$0x400];
	_ =	sdelay $0x1  }
0x106: {  	v14 =	vld [tilespmem:$0x910];
	_ =	sdelay $0x2  }
0x107: {  	v10 =	vmul.f32 v11, v10;
	v11 =	vadd.f32 v13, v12  }
0x108: {  	v12 =	vld.idx.msk [tilespmem:v9+s23+$0x0], $0xffff  }
0x109: {  	v10 =	vadd.f32 $0.0e+00, v10;
	v11 =	vadd.f32 v14, v11;
	_ =	sdelay $0x1  }
0x10a: {  	v10 =	vadd.f32 v11, v10;
	_ =	sdelay $0x1  }
0x10b: {  	v10 =	vmax.f32 v10, v12  }
0x10c: {  	v10 =	vsub.f32 $0.0e+00, v10;
	_ =	sdelay $0x1  }
0x10d: {  	v10 =	vmul.f32 $1.442695020e+00, v10;
	_ =	sdelay $0x1  }
0x10e: {  	(erf) = vpow2.f32 v10;
	_ =	sdelay $0x8  }
0x10f: {  	v10 =	vpop (erf)  }
0x110: {  	v12 =	vadd.f32 $1.000000000e+00, v10;
	_ =	sdelay $0x1  }
0x111: {  	(erf) = vrcp.f32 v12;
	_ =	sdelay $0x4  }
0x112: {  	s2 =	simm.s32 $0x10  }
0x113: {  	v11 =	vld [tilespmem:s2+$0x480]  }
0x114: {  	v10 =	vld [tilespmem:s2+$0xA00]  }
0x115: {  	s31 =	simm.s32 $0x80;
	s0 =	sadd.s32 $0x1, s7;
	v12 =	vld [tilespmem:s2+$0x100]  }
.LBB2_13:
0x116: {  	p0 =	sne.s32 s31, $0x1C0;
	v13 =	vld [tilespmem:s2+$0x400];
	v14 =	vmov s0;
	v15 =	vpop (erf)  }
0x117: {  	[tilespmem:s30+$0xA80] =	vst v15;
	s30 =	smov.u32 s2  }
0x118: {  	v15 =	vld [tilespmem:$0x910];
	_ =	sdelay $0x2  }
0x119: {  	v10 =	vmul.f32 v11, v10;
	v11 =	vadd.f32 v13, v12;
	v12 =	vld.idx.msk [tilespmem:v14+s23+$0x0], $0xffff;
	_ =	sdelay $0x1  }
0x11a: {  	v10 =	vadd.f32 $0.0e+00, v10;
	v11 =	vadd.f32 v15, v11;
	_ =	sdelay $0x1  }
0x11b: {  	v10 =	vadd.f32 v11, v10;
	_ =	sdelay $0x1  }
0x11c: {  	v10 =	vmax.f32 v10, v12  }
0x11d: {  	v10 =	vsub.f32 $0.0e+00, v10;
	_ =	sdelay $0x1  }
0x11e: {  	v10 =	vmul.f32 $1.442695020e+00, v10;
	_ =	sdelay $0x1  }
0x11f: {  	(erf) = vpow2.f32 v10;
	_ =	sdelay $0x8  }
0x120: {  	v10 =	vpop (erf)  }
0x121: {  	v10 =	vadd.f32 $1.000000000e+00, v10;
	_ =	sdelay $0x1  }
0x122: {  	(erf) = vrcp.f32 v10;
	_ =	sdelay $0x3  }
.Ltmp11:
0x123: {  	(pc) =	sbr.rel @p0 .LBB2_13-.Ltmp11, $4  }
0x124: {  	s2 =	sshra.s32 s31, $0x2  }
0x125: {  	v10 =	vld [tilespmem:s2+$0xA00]  }
0x126: {  	v11 =	vld [tilespmem:s2+$0x480]  }
0x127: {  	s0 =	sadd.s32 $0x1, s0;
	s31 =	sadd.s32 $0x40, s31;
	v12 =	vld [tilespmem:s2+$0x100]  }
0x128: {  	v13 =	vld [tilespmem:s2+$0x400];
	v14 =	vpop (erf)  }
0x129: {  	v15 =	vmov s0;
	[tilespmem:s30+$0xA80] =	vst v14  }
0x12a: {  	v14 =	vld [tilespmem:$0x910];
	_ =	sdelay $0x2  }
0x12b: {  	v10 =	vmul.f32 v11, v10;
	v11 =	vadd.f32 v13, v12  }
0x12c: {  	v63 =	vld.idx.msk [tilespmem:v15+s23+$0x0], $0xffff  }
0x12d: {  	v10 =	vadd.f32 $0.0e+00, v10;
	v11 =	vadd.f32 v14, v11;
	_ =	sdelay $0x1  }
0x12e: {  	v10 =	vadd.f32 v11, v10;
	_ =	sdelay $0x1  }
0x12f: {  	v10 =	vmax.f32 v10, v63  }
0x130: {  	v10 =	vsub.f32 $0.0e+00, v10;
	_ =	sdelay $0x1  }
0x131: {  	v10 =	vmul.f32 $1.442695020e+00, v10;
	_ =	sdelay $0x1  }
0x132: {  	(erf) = vpow2.f32 v10;
	_ =	sdelay $0x8  }
0x133: {  	v10 =	vpop (erf)  }
0x134: {  	v10 =	vadd.f32 $1.000000000e+00, v10;
	_ =	sdelay $0x1  }
0x135: {  	(erf) = vrcp.f32 v10;
	_ =	sdelay $0x8  }
0x136: {  	v10 =	vpop (erf)  }
0x137: {  	[tilespmem:s2+$0xA80] =	vst v10  }
0x138: {  	[tilespmem:$0x980] =	vst v7  }
0x139: {  	[tilespmem:$0x990] =	vst v7  }
0x13a: {  	[tilespmem:$0x9A0] =	vst v7  }
.Ltmp12:
0x13b: {  	[tilespmem:$0x9B0] =	vst v7;
	(pc) =	sbr.rel .LBB2_15-.Ltmp12, $4  }
0x13c: {  	[tilespmem:$0x9C0] =	vst v7  }
0x13d: {  	[tilespmem:$0x9D0] =	vst v7  }
0x13e: {  	[tilespmem:$0x9E0] =	vst v7  }
0x13f: {  	s0 =	simm.s32 $0x0;
	[tilespmem:$0x9F0] =	vst v7  }
.LBB2_17:
0x140: {  	s0 =	sadd.s32 $0x1, s0  }
0x141: {  	p0 =	sne.s32 s0, $0x8  }
.Ltmp13:
0x142: {  	_ = 	snop;
	(pc) =	sbr.rel @!p0 .LBB2_18-.Ltmp13, $1  }
0x143: {  	_ =	sdelay $0x3  }
.LBB2_15:
0x144: {  	s2 =	sshll.u32 s0, $0x4  }
0x145: {  	v11 =	vld [tilespmem:s2+$0xA80]  }
0x146: {  	v12 =	vld [tilespmem:s2+$0x500]  }
0x147: {  	v13 =	vld [tilespmem:s2+$0xA00]  }
0x148: {  	v14 =	vld [tilespmem:s2+$0x600]  }
0x149: {  	v10 =	vld [tilespmem:s2+$0x800]  }
0x14a: {  	v15 =	vld [tilespmem:s2+$0x280]  }
0x14b: {  	v16 =	vld [tilespmem:s2+$0x780];
	_ =	sdelay $0x1  }
0x14c: {  	v17 =	vld [tilespmem:$0x960]  }
0x14d: {  	v11 =	vmul.f32 v12, v11;
	_ =	sdelay $0x1  }
0x14e: {  	v59 =	vmul.f32 v14, v13;
	v60 =	vadd.f32 v16, v15;
	v11 =	vadd.f32 $0.0e+00, v11  }
0x14f: {  	v61 =	vld.idx.msk [tilespmem:v10+s20+$0x0], $0xffff  }
0x150: {  	v62 =	vadd.f32 v17, v60;
	v11 =	vadd.f32 v59, v11;
	_ =	sdelay $0x1  }
0x151: {  	v11 =	vadd.f32 v62, v11;
	_ =	sdelay $0x1  }
0x152: {  	vm0 =	vgt.f32 v11, v61  }
0x153: {  	v63 =	vsel vm0, $0x3F800000, v8  }
0x154: {  	(xrf0) =	vmax.scan.msk.f32 $0xffff, v63;
	_ =	sdelay $0x5  }
0x155: {  	v12, _, _ =	vpop (xrf0)  }
0x156: {  	(v2sf) =	vpush v12, $0xF;
	_ =	sdelay $0xe  }
0x157: {  	s31 =	spop (v2sf)  }
0x158: {  	p0 =	sgt.f32 s31, $0.0e+00  }
.Ltmp14:
0x159: {  	_ = 	snop;
	(pc) =	sbr.rel @!p0 .LBB2_17-.Ltmp14, $1  }
0x15a: {  	_ =	sdelay $0x3  }
.LBB2_16:
0x15b: {  	[tilespmem:v10+s20+$0x0] =	vst.idx.msk vm0, v11  }
0x15c: {  	v12 =	vld.idx.msk [tilespmem:v10+s20+$0x0], $0xffff;
	_ =	sdelay $0x4  }
0x15d: {  	vm1 =	vlt.f32 v12, v11  }
0x15e: {  	vm0 =	vmand vm0, vm1  }
0x15f: {  	v63 =	vsel vm0, $0x3F800000, v8  }
0x160: {  	(xrf0) =	vmax.scan.msk.f32 $0xffff, v63;
	_ =	sdelay $0x5  }
0x161: {  	v12, _, _ =	vpop (xrf0)  }
0x162: {  	(v2sf) =	vpush v12, $0xF;
	_ =	sdelay $0xe  }
0x163: {  	s2 =	spop (v2sf)  }
0x164: {  	p0 =	sgt.f32 s2, $0.0e+00  }
.Ltmp15:
0x165: {  	_ = 	snop;
	(pc) =	sbr.rel @p0 .LBB2_16-.Ltmp15, $1  }
0x166: {  	_ =	sdelay $0x3  }
.Ltmp16:
0x167: {  	_ = 	snop;
	(pc) =	sbr.rel .LBB2_17-.Ltmp16, $1  }
0x168: {  	_ =	sdelay $0x3  }
.LBB2_18:
0x169: {  	[spmem:s8] =	stream.linear.scatter [tilespmem:s20], [sflag:$0x2], $0x80, $0x38;
	[tilespmem:$0x1580] =	vst v63  }
0x16a: {  	_ =	swait.ge [sflag:s21], $0x80  }
0x16b: {  	[sflag:s21] =	ssyncset.done $0x0  }
0x16c: {  	[sflag:s21] =	ssyncadd.s32 $0xFFFFFF80  }
0x16d: {  	[bflag:$0x0] =	sbarrier.arrive $0xFFFF  }
0x16e: {  	[tilespmem:s22], [sflag:$0x2] =	stream.linear.gather [spmem:s3], $0x800, $0x38;
	[tilespmem:$0x1580] =	vst v63  }
0x16f: {  	_ =	swait.ge [sflag:s21], $0x800  }
0x170: {  	[sflag:s21] =	ssyncset.done $0x0  }
0x171: {  	[sflag:s21] =	ssyncadd.s32 $0xFFFFF800  }
0x172: {  	v10 =	vld [tilespmem:s9+$0xC00]  }
0x173: {  	v11 =	vld [tilespmem:s9+$0xC80]  }
0x174: {  	v12 =	vld [tilespmem:s9+$0xD00]  }
0x175: {  	v13 =	vld [tilespmem:s9+$0xD80]  }
0x176: {  	v14 =	vld [tilespmem:s9+$0xE00]  }
0x177: {  	v15 =	vld [tilespmem:s9+$0xE80]  }
0x178: {  	v10 =	vmax.f32 v10, v11;
	v11 =	vld [tilespmem:s9+$0xF00]  }
0x179: {  	v10 =	vmax.f32 v10, v12;
	v12 =	vld [tilespmem:s9+$0xF80]  }
0x17a: {  	v10 =	vmax.f32 v10, v13;
	v13 =	vld [tilespmem:s9+$0x1000]  }
0x17b: {  	v10 =	vmax.f32 v10, v14;
	v14 =	vld [tilespmem:s9+$0x1080]  }
0x17c: {  	v10 =	vmax.f32 v10, v15;
	v15 =	vld [tilespmem:s9+$0x1100]  }
0x17d: {  	v10 =	vmax.f32 v10, v11;
	v11 =	vld [tilespmem:s9+$0x1180]  }
0x17e: {  	v10 =	vmax.f32 v10, v12;
	v12 =	vld [tilespmem:s9+$0x1200]  }
0x17f: {  	v10 =	vmax.f32 v10, v13;
	v13 =	vld [tilespmem:s9+$0x1280]  }
0x180: {  	v10 =	vmax.f32 v10, v14;
	v14 =	vld [tilespmem:s9+$0x1300]  }
0x181: {  	v10 =	vmax.f32 v10, v15;
	v15 =	vld [tilespmem:s9+$0x1380]  }
0x182: {  	v10 =	vmax.f32 v10, v11  }
0x183: {  	v10 =	vmax.f32 v10, v12  }
0x184: {  	v10 =	vmax.f32 v10, v13  }
0x185: {  	v10 =	vmax.f32 v10, v14  }
0x186: {  	v10 =	vmax.f32 v10, v15  }
0x187: {  	s30 =	simm.s32 $0x0;
	[tilespmem:$0x1400] =	vst v10  }
0x188: {  	v10 =	vld [tilespmem:s30+$0xA00]  }
0x189: {  	v11 =	vld [tilespmem:s30+$0x580]  }
0x18a: {  	v12 =	vld [tilespmem:s30+$0xA80]  }
0x18b: {  	v13 =	vld [tilespmem:s30+$0x480]  }
0x18c: {  	v14 =	vld [tilespmem:s30+$0x200]  }
0x18d: {  	v15 =	vld [tilespmem:s30+$0x400];
	_ =	sdelay $0x1  }
0x18e: {  	v16 =	vld [tilespmem:$0x920]  }
0x18f: {  	v12 =	vmul.f32 v13, v12;
	_ =	sdelay $0x1  }
0x190: {  	v10 =	vmul.f32 v11, v10;
	v11 =	vadd.f32 v15, v14;
	v12 =	vadd.f32 $0.0e+00, v12  }
0x191: {  	v13 =	vld.idx.msk [tilespmem:v9+s23+$0x0], $0xffff  }
0x192: {  	v11 =	vadd.f32 v16, v11;
	v10 =	vadd.f32 v10, v12;
	_ =	sdelay $0x1  }
0x193: {  	v10 =	vadd.f32 v11, v10;
	_ =	sdelay $0x1  }
0x194: {  	v10 =	vmax.f32 v10, v13  }
0x195: {  	v10 =	vsub.f32 $0.0e+00, v10;
	_ =	sdelay $0x1  }
0x196: {  	v10 =	vmul.f32 $1.442695020e+00, v10;
	_ =	sdelay $0x1  }
0x197: {  	(erf) = vpow2.f32 v10;
	_ =	sdelay $0x8  }
0x198: {  	v10 =	vpop (erf)  }
0x199: {  	v12 =	vadd.f32 $1.000000000e+00, v10;
	_ =	sdelay $0x1  }
0x19a: {  	(erf) = vrcp.f32 v12;
	_ =	sdelay $0x2  }
0x19b: {  	s2 =	simm.s32 $0x10  }
0x19c: {  	v11 =	vld [tilespmem:s2+$0x580]  }
0x19d: {  	v10 =	vld [tilespmem:s2+$0xA00]  }
0x19e: {  	s31 =	simm.s32 $0x80;
	s0 =	smov.u32 s7;
	v12 =	vld [tilespmem:s2+$0xA80]  }
.LBB2_19:
0x19f: {  	p0 =	sne.s32 s31, $0x1C0;
	v13 =	vld [tilespmem:s2+$0x480]  }
0x1a0: {  	s0 =	sadd.s32 $0x1, s0;
	v14 =	vld [tilespmem:s2+$0x200]  }
0x1a1: {  	v16 =	vmov s0;
	v15 =	vld [tilespmem:s2+$0x400];
	v17 =	vpop (erf)  }
0x1a2: {  	[tilespmem:s30+$0xB00] =	vst v17;
	s30 =	smov.u32 s2  }
0x1a3: {  	v17 =	vld [tilespmem:$0x920]  }
0x1a4: {  	v12 =	vmul.f32 v13, v12;
	_ =	sdelay $0x1  }
0x1a5: {  	v10 =	vmul.f32 v11, v10;
	v12 =	vadd.f32 $0.0e+00, v12;
	v11 =	vadd.f32 v15, v14;
	v13 =	vld.idx.msk [tilespmem:v16+s23+$0x0], $0xffff;
	_ =	sdelay $0x1  }
0x1a6: {  	v10 =	vadd.f32 v10, v12;
	v11 =	vadd.f32 v17, v11;
	_ =	sdelay $0x1  }
0x1a7: {  	v10 =	vadd.f32 v11, v10;
	_ =	sdelay $0x1  }
0x1a8: {  	v10 =	vmax.f32 v10, v13  }
0x1a9: {  	v10 =	vsub.f32 $0.0e+00, v10;
	_ =	sdelay $0x1  }
0x1aa: {  	v10 =	vmul.f32 $1.442695020e+00, v10;
	_ =	sdelay $0x1  }
0x1ab: {  	(erf) = vpow2.f32 v10;
	_ =	sdelay $0x8  }
0x1ac: {  	v10 =	vpop (erf)  }
0x1ad: {  	v10 =	vadd.f32 $1.000000000e+00, v10;
	_ =	sdelay $0x1  }
0x1ae: {  	(erf) = vrcp.f32 v10;
	_ =	sdelay $0x1  }
.Ltmp17:
0x1af: {  	(pc) =	sbr.rel @p0 .LBB2_19-.Ltmp17, $4  }
0x1b0: {  	s2 =	sshra.s32 s31, $0x2  }
0x1b1: {  	v10 =	vld [tilespmem:s2+$0xA00]  }
0x1b2: {  	v11 =	vld [tilespmem:s2+$0x580]  }
0x1b3: {  	s31 =	sadd.s32 $0x40, s31;
	v12 =	vld [tilespmem:s2+$0xA80]  }
0x1b4: {  	v13 =	vld [tilespmem:s2+$0x480]  }
0x1b5: {  	v14 =	vld [tilespmem:s2+$0x200]  }
0x1b6: {  	s0 =	sadd.s32 $0x1, s0;
	v15 =	vld [tilespmem:s2+$0x400];
	v16 =	vpop (erf)  }
0x1b7: {  	v17 =	vmov s0;
	[tilespmem:s30+$0xB00] =	vst v16  }
0x1b8: {  	v16 =	vld [tilespmem:$0x920]  }
0x1b9: {  	v12 =	vmul.f32 v13, v12;
	_ =	sdelay $0x1  }
0x1ba: {  	v10 =	vmul.f32 v11, v10;
	v11 =	vadd.f32 v15, v14;
	v12 =	vadd.f32 $0.0e+00, v12  }
0x1bb: {  	v63 =	vld.idx.msk [tilespmem:v17+s23+$0x0], $0xffff  }
0x1bc: {  	v10 =	vadd.f32 v10, v12;
	v11 =	vadd.f32 v16, v11;
	_ =	sdelay $0x1  }
0x1bd: {  	v10 =	vadd.f32 v11, v10;
	_ =	sdelay $0x1  }
0x1be: {  	v10 =	vmax.f32 v10, v63  }
0x1bf: {  	v10 =	vsub.f32 $0.0e+00, v10;
	_ =	sdelay $0x1  }
0x1c0: {  	v10 =	vmul.f32 $1.442695020e+00, v10;
	_ =	sdelay $0x1  }
0x1c1: {  	(erf) = vpow2.f32 v10;
	_ =	sdelay $0x8  }
0x1c2: {  	v10 =	vpop (erf)  }
0x1c3: {  	v10 =	vadd.f32 $1.000000000e+00, v10;
	_ =	sdelay $0x1  }
0x1c4: {  	(erf) = vrcp.f32 v10;
	_ =	sdelay $0x8  }
0x1c5: {  	v10 =	vpop (erf)  }
0x1c6: {  	[tilespmem:s2+$0xB00] =	vst v10  }
0x1c7: {  	[tilespmem:$0x980] =	vst v7  }
0x1c8: {  	[tilespmem:$0x990] =	vst v7  }
0x1c9: {  	[tilespmem:$0x9A0] =	vst v7  }
.Ltmp18:
0x1ca: {  	[tilespmem:$0x9B0] =	vst v7;
	(pc) =	sbr.rel .LBB2_21-.Ltmp18, $4  }
0x1cb: {  	[tilespmem:$0x9C0] =	vst v7  }
0x1cc: {  	[tilespmem:$0x9D0] =	vst v7  }
0x1cd: {  	[tilespmem:$0x9E0] =	vst v7  }
0x1ce: {  	s0 =	simm.s32 $0x0;
	[tilespmem:$0x9F0] =	vst v7  }
.LBB2_23:
0x1cf: {  	s0 =	sadd.s32 $0x1, s0  }
0x1d0: {  	p0 =	sne.s32 s0, $0x8  }
.Ltmp19:
0x1d1: {  	_ = 	snop;
	(pc) =	sbr.rel @!p0 .LBB2_24-.Ltmp19, $1  }
0x1d2: {  	_ =	sdelay $0x3  }
.LBB2_21:
0x1d3: {  	s2 =	sshll.u32 s0, $0x4  }
0x1d4: {  	v11 =	vld [tilespmem:s2+$0xB00]  }
0x1d5: {  	v12 =	vld [tilespmem:s2+$0x500]  }
0x1d6: {  	v13 =	vld [tilespmem:s2+$0xA80]  }
0x1d7: {  	v14 =	vld [tilespmem:s2+$0x600]  }
0x1d8: {  	v15 =	vld [tilespmem:s2+$0xA00]  }
0x1d9: {  	v16 =	vld [tilespmem:s2+$0x700]  }
0x1da: {  	v10 =	vld [tilespmem:s2+$0x800]  }
0x1db: {  	v17 =	vld [tilespmem:s2+$0x380]  }
0x1dc: {  	v18 =	vld [tilespmem:s2+$0x780]  }
0x1dd: {  	v11 =	vmul.f32 v12, v11  }
0x1de: {  	v59 =	vld [tilespmem:$0x970]  }
0x1df: {  	v13 =	vmul.f32 v14, v13;
	v11 =	vadd.f32 $0.0e+00, v11;
	_ =	sdelay $0x1  }
0x1e0: {  	v60 =	vmul.f32 v16, v15;
	v61 =	vadd.f32 v18, v17;
	v11 =	vadd.f32 v13, v11  }
0x1e1: {  	v62 =	vld.idx.msk [tilespmem:v10+s20+$0x0], $0xffff  }
0x1e2: {  	v12 =	vadd.f32 v59, v61;
	v11 =	vadd.f32 v60, v11;
	_ =	sdelay $0x1  }
0x1e3: {  	v11 =	vadd.f32 v12, v11;
	_ =	sdelay $0x1  }
0x1e4: {  	vm0 =	vgt.f32 v11, v62  }
0x1e5: {  	v63 =	vsel vm0, $0x3F800000, v8  }
0x1e6: {  	(xrf0) =	vmax.scan.msk.f32 $0xffff, v63;
	_ =	sdelay $0x5  }
0x1e7: {  	v12, _, _ =	vpop (xrf0)  }
0x1e8: {  	(v2sf) =	vpush v12, $0xF;
	_ =	sdelay $0xe  }
0x1e9: {  	s31 =	spop (v2sf)  }
0x1ea: {  	p0 =	sgt.f32 s31, $0.0e+00  }
.Ltmp20:
0x1eb: {  	_ = 	snop;
	(pc) =	sbr.rel @!p0 .LBB2_23-.Ltmp20, $1  }
0x1ec: {  	_ =	sdelay $0x3  }
.LBB2_22:
0x1ed: {  	[tilespmem:v10+s20+$0x0] =	vst.idx.msk vm0, v11  }
0x1ee: {  	v12 =	vld.idx.msk [tilespmem:v10+s20+$0x0], $0xffff;
	_ =	sdelay $0x4  }
0x1ef: {  	vm1 =	vlt.f32 v12, v11  }
0x1f0: {  	vm0 =	vmand vm0, vm1  }
0x1f1: {  	v63 =	vsel vm0, $0x3F800000, v8  }
0x1f2: {  	(xrf0) =	vmax.scan.msk.f32 $0xffff, v63;
	_ =	sdelay $0x5  }
0x1f3: {  	v12, _, _ =	vpop (xrf0)  }
0x1f4: {  	(v2sf) =	vpush v12, $0xF;
	_ =	sdelay $0xe  }
0x1f5: {  	s2 =	spop (v2sf)  }
0x1f6: {  	p0 =	sgt.f32 s2, $0.0e+00  }
.Ltmp21:
0x1f7: {  	_ = 	snop;
	(pc) =	sbr.rel @p0 .LBB2_22-.Ltmp21, $1  }
0x1f8: {  	_ =	sdelay $0x3  }
.Ltmp22:
0x1f9: {  	_ = 	snop;
	(pc) =	sbr.rel .LBB2_23-.Ltmp22, $1  }
0x1fa: {  	_ =	sdelay $0x3  }
.LBB2_24:
0x1fb: {  	[spmem:s11] =	stream.linear.scatter [tilespmem:s20], [sflag:$0x2], $0x80, $0x38;
	[tilespmem:$0x1580] =	vst v63  }
0x1fc: {  	_ =	swait.ge [sflag:s21], $0x80  }
0x1fd: {  	[sflag:s21] =	ssyncset.done $0x0  }
0x1fe: {  	[sflag:s21] =	ssyncadd.s32 $0xFFFFFF80  }
0x1ff: {  	[bflag:$0x0] =	sbarrier.arrive $0xFFFF  }
0x200: {  	[tilespmem:s22], [sflag:$0x2] =	stream.linear.gather [spmem:s12], $0x800, $0x38;
	[tilespmem:$0x1580] =	vst v63  }
0x201: {  	_ =	swait.ge [sflag:s21], $0x800  }
0x202: {  	[sflag:s21] =	ssyncset.done $0x0  }
0x203: {  	[sflag:s21] =	ssyncadd.s32 $0xFFFFF800  }
0x204: {  	v10 =	vld [tilespmem:s9+$0xC00]  }
0x205: {  	v11 =	vld [tilespmem:s9+$0xC80]  }
0x206: {  	v12 =	vld [tilespmem:s9+$0xD00]  }
0x207: {  	v13 =	vld [tilespmem:s9+$0xD80]  }
0x208: {  	v14 =	vld [tilespmem:s9+$0xE00]  }
0x209: {  	v15 =	vld [tilespmem:s9+$0xE80]  }
0x20a: {  	v10 =	vmax.f32 v10, v11;
	v11 =	vld [tilespmem:s9+$0xF00]  }
0x20b: {  	v51 =	vld [tilespmem:s9+$0xF80];
	v10 =	vmax.f32 v10, v12  }
0x20c: {  	v52 =	vld [tilespmem:s9+$0x1000];
	v10 =	vmax.f32 v10, v13  }
0x20d: {  	v53 =	vld [tilespmem:s9+$0x1080];
	v10 =	vmax.f32 v10, v14  }
0x20e: {  	v54 =	vld [tilespmem:s9+$0x1100];
	v10 =	vmax.f32 v10, v15  }
0x20f: {  	v10 =	vmax.f32 v10, v11;
	v11 =	vld [tilespmem:s9+$0x1180]  }
0x210: {  	v55 =	vld [tilespmem:s9+$0x1200];
	v10 =	vmax.f32 v10, v51  }
0x211: {  	v56 =	vld [tilespmem:s9+$0x1280];
	v10 =	vmax.f32 v10, v52  }
0x212: {  	v57 =	vld [tilespmem:s9+$0x1300];
	v10 =	vmax.f32 v10, v53  }
0x213: {  	v58 =	vld [tilespmem:s9+$0x1380];
	v10 =	vmax.f32 v10, v54  }
0x214: {  	v10 =	vmax.f32 v10, v11  }
0x215: {  	v10 =	vmax.f32 v10, v55  }
0x216: {  	v10 =	vmax.f32 v10, v56  }
0x217: {  	v10 =	vmax.f32 v10, v57  }
0x218: {  	v10 =	vmax.f32 v10, v58  }
0x219: {  	s30 =	simm.s32 $0x0;
	[tilespmem:$0x1400] =	vst v10  }
0x21a: {  	v10 =	vld [tilespmem:s30+$0xA00]  }
0x21b: {  	v11 =	vld [tilespmem:s30+$0x680]  }
0x21c: {  	v59 =	vld [tilespmem:s30+$0xB00]  }
0x21d: {  	v60 =	vld [tilespmem:s30+$0x480]  }
0x21e: {  	v61 =	vld [tilespmem:s30+$0xA80]  }
0x21f: {  	v62 =	vld [tilespmem:s30+$0x580]  }
0x220: {  	v16 =	vld [tilespmem:s30+$0x300]  }
0x221: {  	v17 =	vld [tilespmem:s30+$0x400]  }
0x222: {  	v12 =	vmul.f32 v60, v59  }
0x223: {  	v63 =	vld [tilespmem:$0x930]  }
0x224: {  	v14 =	vmul.f32 v62, v61;
	v12 =	vadd.f32 $0.0e+00, v12;
	_ =	sdelay $0x1  }
0x225: {  	v10 =	vmul.f32 v11, v10;
	v11 =	vadd.f32 v17, v16;
	v12 =	vadd.f32 v14, v12  }
0x226: {  	v9 =	vld.idx.msk [tilespmem:v9+s23+$0x0], $0xffff  }
0x227: {  	v11 =	vadd.f32 v63, v11;
	v10 =	vadd.f32 v10, v12;
	_ =	sdelay $0x1  }
0x228: {  	v10 =	vadd.f32 v11, v10;
	_ =	sdelay $0x1  }
0x229: {  	v9 =	vmax.f32 v10, v9  }
0x22a: {  	v9 =	vsub.f32 $0.0e+00, v9;
	_ =	sdelay $0x1  }
0x22b: {  	v9 =	vmul.f32 $1.442695020e+00, v9;
	_ =	sdelay $0x1  }
0x22c: {  	(erf) = vpow2.f32 v9;
	_ =	sdelay $0x8  }
0x22d: {  	v9 =	vpop (erf)  }
0x22e: {  	v11 =	vadd.f32 $1.000000000e+00, v9;
	_ =	sdelay $0x1  }
0x22f: {  	(erf) = vrcp.f32 v11  }
0x230: {  	s2 =	simm.s32 $0x10  }
0x231: {  	v10 =	vld [tilespmem:s2+$0x680]  }
0x232: {  	v9 =	vld [tilespmem:s2+$0xA00]  }
0x233: {  	s0 =	simm.s32 $0x80;
	s31 =	smov.u32 s7;
	v11 =	vld [tilespmem:s2+$0xB00]  }
.LBB2_25:
0x234: {  	p0 =	sne.s32 s0, $0x1C0;
	v12 =	vld [tilespmem:s2+$0x480]  }
0x235: {  	v13 =	vld [tilespmem:s2+$0xA80]  }
0x236: {  	v14 =	vld [tilespmem:s2+$0x580]  }
0x237: {  	s31 =	sadd.s32 $0x1, s31;
	v15 =	vld [tilespmem:s2+$0x300]  }
0x238: {  	v17 =	vmov s31;
	v16 =	vld [tilespmem:s2+$0x400];
	v18 =	vpop (erf)  }
0x239: {  	v11 =	vmul.f32 v12, v11;
	[tilespmem:s30+$0xB80] =	vst v18;
	s30 =	smov.u32 s2  }
0x23a: {  	v12 =	vld [tilespmem:$0x930]  }
0x23b: {  	v11 =	vadd.f32 $0.0e+00, v11;
	v13 =	vmul.f32 v14, v13;
	_ =	sdelay $0x1  }
0x23c: {  	v9 =	vmul.f32 v10, v9;
	v11 =	vadd.f32 v13, v11;
	v10 =	vadd.f32 v16, v15;
	v13 =	vld.idx.msk [tilespmem:v17+s23+$0x0], $0xffff;
	_ =	sdelay $0x1  }
0x23d: {  	v9 =	vadd.f32 v9, v11;
	v10 =	vadd.f32 v12, v10;
	_ =	sdelay $0x1  }
0x23e: {  	v9 =	vadd.f32 v10, v9;
	_ =	sdelay $0x1  }
0x23f: {  	v9 =	vmax.f32 v9, v13  }
0x240: {  	v9 =	vsub.f32 $0.0e+00, v9;
	_ =	sdelay $0x1  }
0x241: {  	v9 =	vmul.f32 $1.442695020e+00, v9;
	_ =	sdelay $0x1  }
0x242: {  	(erf) = vpow2.f32 v9;
	_ =	sdelay $0x8  }
0x243: {  	v9 =	vpop (erf)  }
0x244: {  	v9 =	vadd.f32 $1.000000000e+00, v9;
	_ =	sdelay $0x1  }
.Ltmp23:
0x245: {  	(erf) = vrcp.f32 v9;
	(pc) =	sbr.rel @p0 .LBB2_25-.Ltmp23, $4  }
0x246: {  	s2 =	sshra.s32 s0, $0x2  }
0x247: {  	v9 =	vld [tilespmem:s2+$0xA00]  }
0x248: {  	v10 =	vld [tilespmem:s2+$0x680]  }
0x249: {  	s0 =	sadd.s32 $0x40, s0;
	v11 =	vld [tilespmem:s2+$0xB00]  }
0x24a: {  	v12 =	vld [tilespmem:s2+$0x480]  }
0x24b: {  	v13 =	vld [tilespmem:s2+$0xA80]  }
0x24c: {  	v14 =	vld [tilespmem:s2+$0x580]  }
0x24d: {  	v15 =	vld [tilespmem:s2+$0x300]  }
0x24e: {  	s0 =	sadd.s32 $0x1, s31;
	v16 =	vld [tilespmem:s2+$0x400];
	v17 =	vpop (erf)  }
0x24f: {  	v18 =	vmov s0;
	v11 =	vmul.f32 v12, v11;
	[tilespmem:s30+$0xB80] =	vst v17  }
0x250: {  	v62 =	vld [tilespmem:$0x930]  }
0x251: {  	v13 =	vmul.f32 v14, v13;
	v11 =	vadd.f32 $0.0e+00, v11;
	_ =	sdelay $0x1  }
0x252: {  	v9 =	vmul.f32 v10, v9;
	v10 =	vadd.f32 v16, v15;
	v11 =	vadd.f32 v13, v11  }
0x253: {  	v63 =	vld.idx.msk [tilespmem:v18+s23+$0x0], $0xffff  }
0x254: {  	v9 =	vadd.f32 v9, v11;
	v10 =	vadd.f32 v62, v10;
	_ =	sdelay $0x1  }
0x255: {  	v9 =	vadd.f32 v10, v9;
	_ =	sdelay $0x1  }
0x256: {  	v9 =	vmax.f32 v9, v63  }
0x257: {  	v9 =	vsub.f32 $0.0e+00, v9;
	_ =	sdelay $0x1  }
0x258: {  	v9 =	vmul.f32 $1.442695020e+00, v9;
	_ =	sdelay $0x1  }
0x259: {  	(erf) = vpow2.f32 v9;
	_ =	sdelay $0x8  }
0x25a: {  	v9 =	vpop (erf)  }
0x25b: {  	v9 =	vadd.f32 $1.000000000e+00, v9;
	_ =	sdelay $0x1  }
0x25c: {  	(erf) = vrcp.f32 v9;
	_ =	sdelay $0x8  }
0x25d: {  	v9 =	vpop (erf)  }
0x25e: {  	[tilespmem:s2+$0xB80] =	vst v9  }
0x25f: {  	[hbm4b:s10+s4] =	stream.linear.scatter [tilespmem:s24], [sflag:$0x1], $0x80, $0x38;
	[tilespmem:$0x1580] =	vst v63  }
0x260: {  	_ = 	snop  }
0x261: {  	[hbm4b:s13+s4] =	stream.linear.scatter [tilespmem:s25], [sflag:$0x1], $0x80, $0x38;
	[tilespmem:$0x1580] =	vst v63  }
0x262: {  	_ = 	snop  }
0x263: {  	[hbm4b:s14+s4] =	stream.linear.scatter [tilespmem:s26], [sflag:$0x1], $0x80, $0x38;
	[tilespmem:$0x1580] =	vst v63  }
0x264: {  	_ = 	snop  }
0x265: {  	[hbm4b:s15+s4] =	stream.linear.scatter [tilespmem:s28], [sflag:$0x1], $0x80, $0x38;
	[tilespmem:$0x1580] =	vst v63  }
0x266: {  	_ =	swait.ge [sflag:s19], $0x80  }
0x267: {  	[sflag:s19] =	ssyncset.done $0x0  }
0x268: {  	[sflag:s19] =	ssyncadd.s32 $0xFFFFFF80  }
0x269: {  	_ =	swait.ge [sflag:s19], $0x80  }
0x26a: {  	[sflag:s19] =	ssyncset.done $0x0  }
0x26b: {  	s29 =	sadd.s32 $0x1, s29;
	[sflag:s19] =	ssyncadd.s32 $0xFFFFFF80  }
0x26c: {  	p0 =	sne.s32 s29, s16;
	_ =	swait.ge [sflag:s19], $0x80  }
.Ltmp24:
0x26d: {  	[sflag:s19] =	ssyncset.done $0x0;
	(pc) =	sbr.rel @p0 .LBB2_1-.Ltmp24, $4  }
0x26e: {  	[sflag:s19] =	ssyncadd.s32 $0xFFFFFF80  }
0x26f: {  	_ =	swait.ge [sflag:s19], $0x80  }
0x270: {  	[sflag:s19] =	ssyncset.done $0x0  }
0x271: {  	[sflag:s19] =	ssyncadd.s32 $0xFFFFFF80  }
0x272: {  	_ =	sfence.sel $0x180000  }
0x273: {  	[bflag:$0x0] =	sbarrier.arrive $0xFFFF  }
0x274: {  	_ =	strace $0x90000047  }
0x275: {  	s0 =	stileid.u32;
	[bflag:$0x2] =	sbarrier.arrive $0xFFFF  }
0x276: {  	p0 =	sne.s32 s0, $0x0;
	s0 =	rddreg [dreg:$0x5]  }
0x277: {  	s0 =	sadd.s32 @!p0 $0x100000, s0  }
0x278: {  	[sflag:s0] =	ssyncadd.tile.s32 @!p0 $0x1;
	_ =	shalt  }
.Lfunc_end2:
_tile_overlayer_lowered:
.L_overlay_start_2:
0x279: {  	(tag) =	ssettag $0x2  }
0x27a: {  	s0 =	rddreg [dreg:$0x0];
	s2 =	stileid.u32  }
0x27b: {  	s1 =	rddreg [dreg:$0x1];
	p0 =	sne.s32 s2, $0x0  }
0x27c: {  	s3 =	rddreg [dreg:$0x2];
	[bflag:$0x3] =	sbarrier.arrive $0xFFFF;
	s2 =	simm.s32 @!p0 $0x1C02  }
0x27d: {  	[timem:s3], [sflag:s2] =	dma.local @!p0 [hbm:s0], s1  }
0x27e: {  	s0 =	simm.s32 @!p0 $0x2  }
0x27f: {  	_ =	swait.ge @!p0 [sflag:s0], s1  }
0x280: {  	s1 =	ssub.s32 @!p0 $0x0, s1;
	[sflag:s0] =	ssyncset.done @!p0 $0x0  }
0x281: {  	[sflag:s0] =	ssyncadd.s32 @!p0 s1  }
0x282: {  	[bflag:$0x3] =	sbarrier.arrive $0xFFFF  }
0x283: {  	_ =	shalt  }

</sc_bundles>
